<compile_context>
chip_gen: v7x
topology: tpu7x:2x2x1
jax: 0.10.2.dev20260603
libtpu: 0.0.44.dev20260713+nightly
codegen_flags: <defaults>
</compile_context>

<pallas_src>
import functools

import numpy as np
import jax
import jax.numpy as jnp
from jax import lax
from jax.experimental import pallas as pl
from jax.experimental.pallas import tpu as pltpu
from jax.experimental.pallas import tpu_sc as plsc

RATIO = 0.75
NUM_ROWS = 32
NUM_COLS = 32


def _build_shuffle_indexes(T, B):
    r, c = NUM_ROWS, NUM_COLS
    stripe_width = max(1, int(c * RATIO))
    rng = np.random.RandomState(0)
    grid = np.arange(T).reshape(r, c)
    fwd_list, bwd_list, bounds_list, remain_list = [], [], [], []
    for _ in range(B):
        start = int(rng.randint(0, c - stripe_width + 1))
        end = start + stripe_width
        visible = np.concatenate(
            [grid[:, :start].reshape(-1), grid[:, end:].reshape(-1)], axis=0)
        masked = grid[:, start:end].reshape(-1)
        fwd = np.concatenate([visible, masked], axis=0)
        bwd = np.argsort(fwd)
        remain_list.append(visible.shape[0])
        fwd_list.append(fwd)
        bwd_list.append(bwd)
        bounds_list.append(np.array([start, end], dtype=np.int64))
    forward_indexes = np.stack(fwd_list, axis=-1)
    backward_indexes = np.stack(bwd_list, axis=-1)
    stripe_bounds = np.stack(bounds_list, axis=-1)
    return forward_indexes, backward_indexes, stripe_bounds, min(remain_list)


@functools.lru_cache(maxsize=None)
def _make_row_gather(n_table_rows, D, n_out_rows):
    info = plsc.get_sparse_core_info()
    NC, NS = info.num_cores, info.num_subcores
    NW = NC * NS
    per_w = n_out_rows // NW
    CH = 32
    NBUF = 5
    nch = per_w // CH
    mesh = plsc.VectorSubcoreMesh(core_axis_name="c", subcore_axis_name="s")

    @functools.partial(
        pl.kernel, mesh=mesh,
        out_type=jax.ShapeDtypeStruct((n_out_rows, D), jnp.float32),
        scratch_types=(
            [pltpu.VMEM((per_w,), jnp.int32)]
            + [pltpu.VMEM((CH, D), jnp.float32)] * NBUF
            + [pltpu.SemaphoreType.DMA] * (2 * NBUF)
        ),
    )
    def row_gather(tbl, idx_hbm, out, idx_v, *rest):
        bufs = rest[:NBUF]
        gsems = rest[NBUF:2 * NBUF]
        ssems = rest[2 * NBUF:3 * NBUF]
        wid = lax.axis_index("s") * NC + lax.axis_index("c")
        base = wid * per_w
        pltpu.sync_copy(idx_hbm.at[pl.ds(base, per_w)], idx_v)
        gathers = [None] * nch
        scatters = [None] * nch
        for k in range(min(NBUF - 1, nch)):
            gathers[k] = pltpu.async_copy(
                tbl.at[idx_v.at[pl.ds(k * CH, CH)]],
                bufs[k % NBUF], gsems[k % NBUF])
        for k in range(nch):
            gathers[k].wait()
            scatters[k] = pltpu.async_copy(
                bufs[k % NBUF], out.at[pl.ds(base + k * CH, CH)],
                ssems[k % NBUF])
            nk = k + NBUF - 1
            if nk < nch:
                if nk - NBUF >= 0:
                    scatters[nk - NBUF].wait()
                gathers[nk] = pltpu.async_copy(
                    tbl.at[idx_v.at[pl.ds(nk * CH, CH)]],
                    bufs[nk % NBUF], gsems[nk % NBUF])
        for k in range(max(0, nch - NBUF), nch):
            scatters[k].wait()

    return row_gather


def kernel(patches):
    T, B, C = patches.shape
    fwd_np, bwd_np, bounds_np, min_vis = _build_shuffle_indexes(T, B)
    flat_idx_np = (fwd_np[:min_vis].astype(np.int64) * B
                   + np.arange(B)[None, :]).reshape(-1).astype(np.int32)
    tbl = patches.reshape(T * B, C)
    out_flat = _make_row_gather(T * B, C, min_vis * B)(
        tbl, jnp.asarray(flat_idx_np))
    out = out_flat.reshape(min_vis, B, C)
    return (out,
            jnp.asarray(fwd_np, dtype=jnp.int32),
            jnp.asarray(bwd_np, dtype=jnp.int32),
            jnp.asarray(bounds_np, dtype=jnp.int32))

# --- scband reference (transcript-rebuilt; emitter-appended) ---
"""Pipeline reference for scband-patch-shuffle-65712999628933 (READ-ONLY COPY).

The authoritative reference and input builder live on the scoring server;
editing this copy changes nothing except your own understanding.
"""

import jax, jax.numpy as jnp
import numpy as np

RATIO = 0.75
NUM_ROWS = 32
NUM_COLS = 32


def _build_indexes(T, B):
    r, c = NUM_ROWS, NUM_COLS
    stripe_width = max(1, int(c * RATIO))
    rng = np.random.RandomState(0)
    grid = np.arange(T).reshape(r, c)
    fwd_list, bwd_list, bounds_list, remain_list = [], [], [], []
    for _ in range(B):
        start = int(rng.randint(0, c - stripe_width + 1))
        end = start + stripe_width
        visible = np.concatenate([grid[:, :start].reshape(-1), grid[:, end:].reshape(-1)], axis=0)
        masked = grid[:, start:end].reshape(-1)
        fwd = np.concatenate([visible, masked], axis=0)
        bwd = np.argsort(fwd)
        remain_list.append(visible.shape[0])
        fwd_list.append(fwd)
        bwd_list.append(bwd)
        bounds_list.append(np.array([start, end], dtype=np.int64))
    forward_indexes = np.stack(fwd_list, axis=-1)
    backward_indexes = np.stack(bwd_list, axis=-1)
    stripe_bounds = np.stack(bounds_list, axis=-1)
    return forward_indexes, backward_indexes, stripe_bounds, min(remain_list)


def setup_inputs(seed: int = 0) -> dict:
    key = jax.random.key(seed)
    patches = jax.random.normal(key, (1024, 64, 768), dtype=jnp.float32)
    return {"patches": patches}


def reference(patches):
    T, B, C = patches.shape
    fwd_np, bwd_np, bounds_np, min_vis = _build_indexes(T, B)
    forward_indexes = jnp.asarray(fwd_np, dtype=jnp.int32)
    backward_indexes = jnp.asarray(bwd_np, dtype=jnp.int32)
    stripe_bounds = jnp.asarray(bounds_np, dtype=jnp.int32)
    # take_indexes: gather along token axis with per-batch index, broadcast over C
    idx = jnp.broadcast_to(forward_indexes[:, :, None], (T, B, C))
    shuffled = jnp.take_along_axis(patches, idx, axis=0)
    out = shuffled[:min_vis]
    return (out, forward_indexes, backward_indexes, stripe_bounds)

if __name__ == "__main__":
    import jax
    _d = setup_inputs()
    print(jax.jit(kernel)(*tuple(_d.values())))

</pallas_src>

<mosaic_0001>
#map = affine_map<(d0, d1) -> (0, 0)>
#map1 = affine_map<(d0, d1) -> (0)>
module attributes {stable_mosaic.version = 14 : i64} {
  func.func @row_gather(%arg0: i32, %arg1: i32, %arg2: memref<65536x768xf32, #tpu.memory_space<hbm>>, %arg3: memref<16384xi32, #tpu.memory_space<hbm>>, %arg4: memref<16384x768xf32, #tpu.memory_space<hbm>>, %arg5: memref<512xi32, #tpu.memory_space<vmem>>, %arg6: memref<32x768xf32, #tpu.memory_space<vmem>>, %arg7: memref<32x768xf32, #tpu.memory_space<vmem>>, %arg8: memref<32x768xf32, #tpu.memory_space<vmem>>, %arg9: memref<32x768xf32, #tpu.memory_space<vmem>>, %arg10: memref<32x768xf32, #tpu.memory_space<vmem>>, %arg11: memref<!tpu.dma_semaphore, #tpu.memory_space<semaphore_mem>>, %arg12: memref<!tpu.dma_semaphore, #tpu.memory_space<semaphore_mem>>, %arg13: memref<!tpu.dma_semaphore, #tpu.memory_space<semaphore_mem>>, %arg14: memref<!tpu.dma_semaphore, #tpu.memory_space<semaphore_mem>>, %arg15: memref<!tpu.dma_semaphore, #tpu.memory_space<semaphore_mem>>, %arg16: memref<!tpu.dma_semaphore, #tpu.memory_space<semaphore_mem>>, %arg17: memref<!tpu.dma_semaphore, #tpu.memory_space<semaphore_mem>>, %arg18: memref<!tpu.dma_semaphore, #tpu.memory_space<semaphore_mem>>, %arg19: memref<!tpu.dma_semaphore, #tpu.memory_space<semaphore_mem>>, %arg20: memref<!tpu.dma_semaphore, #tpu.memory_space<semaphore_mem>>) attributes {dimension_semantics = [#tpu.dimension_semantics<core_parallel>, #tpu.dimension_semantics<subcore_parallel>], iteration_bounds = array<i64: 2, 16>, scalar_prefetch = 0 : i64, scratch_operands = 16 : i64, tpu.core_type = #tpu.core_type<sc_vector_subcore>, window_params = [{transform_indices = #map}, {transform_indices = #map1}, {transform_indices = #map}]} {
    %mul3A = arith.constant 2 : i32
    %mul3A_0 = arith.muli %arg1, %mul3A : i32
    %add3A = arith.addi %mul3A_0, %arg0 : i32
    %mul3A_1 = arith.constant 512 : i32
    %mul3A_2 = arith.muli %add3A, %mul3A_1 : i32
    "tpu.region"() ({
      %run_scoped3A = tpu.sem_alloc : memref<!tpu.dma_semaphore, #tpu.memory_space<semaphore_mem>>
      %dma_start3A_321 = tpu.memref_slice %arg3[%mul3A_2] : memref<16384xi32, #tpu.memory_space<hbm>> -> memref<512xi32, #tpu.memory_space<hbm>>
      %dma_start3A_322 = tpu.memref_slice %arg3[%mul3A_2] : memref<16384xi32, #tpu.memory_space<hbm>> -> memref<512xi32, #tpu.memory_space<hbm>>
      tpu.enqueue_dma source(%dma_start3A_322 : memref<512xi32, #tpu.memory_space<hbm>>) target(%arg5 : memref<512xi32, #tpu.memory_space<vmem>>) target_semaphore(%run_scoped3A : memref<!tpu.dma_semaphore, #tpu.memory_space<semaphore_mem>>)
      %dma_wait3A_323 = tpu.memref_slice %arg3[%mul3A_2] : memref<16384xi32, #tpu.memory_space<hbm>> -> memref<512xi32, #tpu.memory_space<hbm>>
      %dma_wait3A_324 = tpu.memref_slice %arg3[%mul3A_2] : memref<16384xi32, #tpu.memory_space<hbm>> -> memref<512xi32, #tpu.memory_space<hbm>>
      tpu.wait_dma2 semaphore(%run_scoped3A : memref<!tpu.dma_semaphore, #tpu.memory_space<semaphore_mem>>) src(%dma_wait3A_324 : memref<512xi32, #tpu.memory_space<hbm>>) dst(%arg5 : memref<512xi32, #tpu.memory_space<vmem>>)
      tpu.yield
    }) : () -> ()
    %dma_start3A = arith.constant 0 : i32
    %dma_start3A_3 = tpu.memref_slice %arg5[%dma_start3A] : memref<512xi32, #tpu.memory_space<vmem>> -> memref<32xi32, #tpu.memory_space<vmem>>
    %dma_start3A_4 = arith.constant 0 : i32
    %dma_start3A_5 = arith.constant 0 : i32
    %dma_start3A_6 = tpu.memref_slice %arg2[%dma_start3A_4, %dma_start3A_5] : memref<65536x768xf32, #tpu.memory_space<hbm>> -> memref<65536x768xf32, #tpu.memory_space<hbm>>
    tpu.enqueue_indirect_dma source(%dma_start3A_6 : memref<65536x768xf32, #tpu.memory_space<hbm>>) target(%arg6 : memref<32x768xf32, #tpu.memory_space<vmem>>) offsets(%dma_start3A_3 : memref<32xi32, #tpu.memory_space<vmem>>) semaphore(%arg11 : memref<!tpu.dma_semaphore, #tpu.memory_space<semaphore_mem>>)
    %dma_start3A_7 = arith.constant 32 : i32
    %dma_start3A_8 = tpu.memref_slice %arg5[%dma_start3A_7] : memref<512xi32, #tpu.memory_space<vmem>> -> memref<32xi32, #tpu.memory_space<vmem>>
    %dma_start3A_9 = arith.constant 0 : i32
    %dma_start3A_10 = arith.constant 0 : i32
    %dma_start3A_11 = tpu.memref_slice %arg2[%dma_start3A_9, %dma_start3A_10] : memref<65536x768xf32, #tpu.memory_space<hbm>> -> memref<65536x768xf32, #tpu.memory_space<hbm>>
    tpu.enqueue_indirect_dma source(%dma_start3A_11 : memref<65536x768xf32, #tpu.memory_space<hbm>>) target(%arg7 : memref<32x768xf32, #tpu.memory_space<vmem>>) offsets(%dma_start3A_8 : memref<32xi32, #tpu.memory_space<vmem>>) semaphore(%arg12 : memref<!tpu.dma_semaphore, #tpu.memory_space<semaphore_mem>>)
    %dma_start3A_12 = arith.constant 64 : i32
    %dma_start3A_13 = tpu.memref_slice %arg5[%dma_start3A_12] : memref<512xi32, #tpu.memory_space<vmem>> -> memref<32xi32, #tpu.memory_space<vmem>>
    %dma_start3A_14 = arith.constant 0 : i32
    %dma_start3A_15 = arith.constant 0 : i32
    %dma_start3A_16 = tpu.memref_slice %arg2[%dma_start3A_14, %dma_start3A_15] : memref<65536x768xf32, #tpu.memory_space<hbm>> -> memref<65536x768xf32, #tpu.memory_space<hbm>>
    tpu.enqueue_indirect_dma source(%dma_start3A_16 : memref<65536x768xf32, #tpu.memory_space<hbm>>) target(%arg8 : memref<32x768xf32, #tpu.memory_space<vmem>>) offsets(%dma_start3A_13 : memref<32xi32, #tpu.memory_space<vmem>>) semaphore(%arg13 : memref<!tpu.dma_semaphore, #tpu.memory_space<semaphore_mem>>)
    %dma_start3A_17 = arith.constant 96 : i32
    %dma_start3A_18 = tpu.memref_slice %arg5[%dma_start3A_17] : memref<512xi32, #tpu.memory_space<vmem>> -> memref<32xi32, #tpu.memory_space<vmem>>
    %dma_start3A_19 = arith.constant 0 : i32
    %dma_start3A_20 = arith.constant 0 : i32
    %dma_start3A_21 = tpu.memref_slice %arg2[%dma_start3A_19, %dma_start3A_20] : memref<65536x768xf32, #tpu.memory_space<hbm>> -> memref<65536x768xf32, #tpu.memory_space<hbm>>
    tpu.enqueue_indirect_dma source(%dma_start3A_21 : memref<65536x768xf32, #tpu.memory_space<hbm>>) target(%arg9 : memref<32x768xf32, #tpu.memory_space<vmem>>) offsets(%dma_start3A_18 : memref<32xi32, #tpu.memory_space<vmem>>) semaphore(%arg14 : memref<!tpu.dma_semaphore, #tpu.memory_space<semaphore_mem>>)
    %dma_wait3A = arith.constant 0 : i32
    %dma_wait3A_22 = tpu.memref_slice %arg5[%dma_wait3A] : memref<512xi32, #tpu.memory_space<vmem>> -> memref<32xi32, #tpu.memory_space<vmem>>
    %dma_wait3A_23 = arith.constant 0 : i32
    %dma_wait3A_24 = arith.constant 0 : i32
    %dma_wait3A_25 = tpu.memref_slice %arg2[%dma_wait3A_23, %dma_wait3A_24] : memref<65536x768xf32, #tpu.memory_space<hbm>> -> memref<65536x768xf32, #tpu.memory_space<hbm>>
    tpu.wait_indirect_dma semaphore(%arg11 : memref<!tpu.dma_semaphore, #tpu.memory_space<semaphore_mem>>) src(%dma_wait3A_25 : memref<65536x768xf32, #tpu.memory_space<hbm>>) dst(%arg6 : memref<32x768xf32, #tpu.memory_space<vmem>>)
    %add3A_26 = arith.constant 0 : i32
    %add3A_27 = arith.addi %mul3A_2, %add3A_26 : i32
    %dma_start3A_28 = arith.constant 0 : i32
    %dma_start3A_29 = tpu.memref_slice %arg4[%add3A_27, %dma_start3A_28] : memref<16384x768xf32, #tpu.memory_space<hbm>> -> memref<32x768xf32, #tpu.memory_space<hbm>>
    %dma_start3A_30 = arith.constant 0 : i32
    %dma_start3A_31 = tpu.memref_slice %arg4[%add3A_27, %dma_start3A_30] : memref<16384x768xf32, #tpu.memory_space<hbm>> -> memref<32x768xf32, #tpu.memory_space<hbm>>
    tpu.enqueue_dma source(%arg6 : memref<32x768xf32, #tpu.memory_space<vmem>>) target(%dma_start3A_31 : memref<32x768xf32, #tpu.memory_space<hbm>>) target_semaphore(%arg16 : memref<!tpu.dma_semaphore, #tpu.memory_space<semaphore_mem>>)
    %dma_start3A_32 = arith.constant 128 : i32
    %dma_start3A_33 = tpu.memref_slice %arg5[%dma_start3A_32] : memref<512xi32, #tpu.memory_space<vmem>> -> memref<32xi32, #tpu.memory_space<vmem>>
    %dma_start3A_34 = arith.constant 0 : i32
    %dma_start3A_35 = arith.constant 0 : i32
    %dma_start3A_36 = tpu.memref_slice %arg2[%dma_start3A_34, %dma_start3A_35] : memref<65536x768xf32, #tpu.memory_space<hbm>> -> memref<65536x768xf32, #tpu.memory_space<hbm>>
    tpu.enqueue_indirect_dma source(%dma_start3A_36 : memref<65536x768xf32, #tpu.memory_space<hbm>>) target(%arg10 : memref<32x768xf32, #tpu.memory_space<vmem>>) offsets(%dma_start3A_33 : memref<32xi32, #tpu.memory_space<vmem>>) semaphore(%arg15 : memref<!tpu.dma_semaphore, #tpu.memory_space<semaphore_mem>>)
    %dma_wait3A_37 = arith.constant 32 : i32
    %dma_wait3A_38 = tpu.memref_slice %arg5[%dma_wait3A_37] : memref<512xi32, #tpu.memory_space<vmem>> -> memref<32xi32, #tpu.memory_space<vmem>>
    %dma_wait3A_39 = arith.constant 0 : i32
    %dma_wait3A_40 = arith.constant 0 : i32
    %dma_wait3A_41 = tpu.memref_slice %arg2[%dma_wait3A_39, %dma_wait3A_40] : memref<65536x768xf32, #tpu.memory_space<hbm>> -> memref<65536x768xf32, #tpu.memory_space<hbm>>
    tpu.wait_indirect_dma semaphore(%arg12 : memref<!tpu.dma_semaphore, #tpu.memory_space<semaphore_mem>>) src(%dma_wait3A_41 : memref<65536x768xf32, #tpu.memory_space<hbm>>) dst(%arg7 : memref<32x768xf32, #tpu.memory_space<vmem>>)
    %add3A_42 = arith.constant 32 : i32
    %add3A_43 = arith.addi %mul3A_2, %add3A_42 : i32
    %dma_start3A_44 = arith.constant 0 : i32
    %dma_start3A_45 = tpu.memref_slice %arg4[%add3A_43, %dma_start3A_44] : memref<16384x768xf32, #tpu.memory_space<hbm>> -> memref<32x768xf32, #tpu.memory_space<hbm>>
    %dma_start3A_46 = arith.constant 0 : i32
    %dma_start3A_47 = tpu.memref_slice %arg4[%add3A_43, %dma_start3A_46] : memref<16384x768xf32, #tpu.memory_space<hbm>> -> memref<32x768xf32, #tpu.memory_space<hbm>>
    tpu.enqueue_dma source(%arg7 : memref<32x768xf32, #tpu.memory_space<vmem>>) target(%dma_start3A_47 : memref<32x768xf32, #tpu.memory_space<hbm>>) target_semaphore(%arg17 : memref<!tpu.dma_semaphore, #tpu.memory_space<semaphore_mem>>)
    %dma_wait3A_48 = arith.constant 0 : i32
    %dma_wait3A_49 = tpu.memref_slice %arg4[%add3A_27, %dma_wait3A_48] : memref<16384x768xf32, #tpu.memory_space<hbm>> -> memref<32x768xf32, #tpu.memory_space<hbm>>
    %dma_wait3A_50 = arith.constant 0 : i32
    %dma_wait3A_51 = tpu.memref_slice %arg4[%add3A_27, %dma_wait3A_50] : memref<16384x768xf32, #tpu.memory_space<hbm>> -> memref<32x768xf32, #tpu.memory_space<hbm>>
    tpu.wait_dma2 semaphore(%arg16 : memref<!tpu.dma_semaphore, #tpu.memory_space<semaphore_mem>>) src(%arg6 : memref<32x768xf32, #tpu.memory_space<vmem>>) dst(%dma_wait3A_51 : memref<32x768xf32, #tpu.memory_space<hbm>>)
    %dma_start3A_52 = arith.constant 160 : i32
    %dma_start3A_53 = tpu.memref_slice %arg5[%dma_start3A_52] : memref<512xi32, #tpu.memory_space<vmem>> -> memref<32xi32, #tpu.memory_space<vmem>>
    %dma_start3A_54 = arith.constant 0 : i32
    %dma_start3A_55 = arith.constant 0 : i32
    %dma_start3A_56 = tpu.memref_slice %arg2[%dma_start3A_54, %dma_start3A_55] : memref<65536x768xf32, #tpu.memory_space<hbm>> -> memref<65536x768xf32, #tpu.memory_space<hbm>>
    tpu.enqueue_indirect_dma source(%dma_start3A_56 : memref<65536x768xf32, #tpu.memory_space<hbm>>) target(%arg6 : memref<32x768xf32, #tpu.memory_space<vmem>>) offsets(%dma_start3A_53 : memref<32xi32, #tpu.memory_space<vmem>>) semaphore(%arg11 : memref<!tpu.dma_semaphore, #tpu.memory_space<semaphore_mem>>)
    %dma_wait3A_57 = arith.constant 64 : i32
    %dma_wait3A_58 = tpu.memref_slice %arg5[%dma_wait3A_57] : memref<512xi32, #tpu.memory_space<vmem>> -> memref<32xi32, #tpu.memory_space<vmem>>
    %dma_wait3A_59 = arith.constant 0 : i32
    %dma_wait3A_60 = arith.constant 0 : i32
    %dma_wait3A_61 = tpu.memref_slice %arg2[%dma_wait3A_59, %dma_wait3A_60] : memref<65536x768xf32, #tpu.memory_space<hbm>> -> memref<65536x768xf32, #tpu.memory_space<hbm>>
    tpu.wait_indirect_dma semaphore(%arg13 : memref<!tpu.dma_semaphore, #tpu.memory_space<semaphore_mem>>) src(%dma_wait3A_61 : memref<65536x768xf32, #tpu.memory_space<hbm>>) dst(%arg8 : memref<32x768xf32, #tpu.memory_space<vmem>>)
    %add3A_62 = arith.constant 64 : i32
    %add3A_63 = arith.addi %mul3A_2, %add3A_62 : i32
    %dma_start3A_64 = arith.constant 0 : i32
    %dma_start3A_65 = tpu.memref_slice %arg4[%add3A_63, %dma_start3A_64] : memref<16384x768xf32, #tpu.memory_space<hbm>> -> memref<32x768xf32, #tpu.memory_space<hbm>>
    %dma_start3A_66 = arith.constant 0 : i32
    %dma_start3A_67 = tpu.memref_slice %arg4[%add3A_63, %dma_start3A_66] : memref<16384x768xf32, #tpu.memory_space<hbm>> -> memref<32x768xf32, #tpu.memory_space<hbm>>
    tpu.enqueue_dma source(%arg8 : memref<32x768xf32, #tpu.memory_space<vmem>>) target(%dma_start3A_67 : memref<32x768xf32, #tpu.memory_space<hbm>>) target_semaphore(%arg18 : memref<!tpu.dma_semaphore, #tpu.memory_space<semaphore_mem>>)
    %dma_wait3A_68 = arith.constant 0 : i32
    %dma_wait3A_69 = tpu.memref_slice %arg4[%add3A_43, %dma_wait3A_68] : memref<16384x768xf32, #tpu.memory_space<hbm>> -> memref<32x768xf32, #tpu.memory_space<hbm>>
    %dma_wait3A_70 = arith.constant 0 : i32
    %dma_wait3A_71 = tpu.memref_slice %arg4[%add3A_43, %dma_wait3A_70] : memref<16384x768xf32, #tpu.memory_space<hbm>> -> memref<32x768xf32, #tpu.memory_space<hbm>>
    tpu.wait_dma2 semaphore(%arg17 : memref<!tpu.dma_semaphore, #tpu.memory_space<semaphore_mem>>) src(%arg7 : memref<32x768xf32, #tpu.memory_space<vmem>>) dst(%dma_wait3A_71 : memref<32x768xf32, #tpu.memory_space<hbm>>)
    %dma_start3A_72 = arith.constant 192 : i32
    %dma_start3A_73 = tpu.memref_slice %arg5[%dma_start3A_72] : memref<512xi32, #tpu.memory_space<vmem>> -> memref<32xi32, #tpu.memory_space<vmem>>
    %dma_start3A_74 = arith.constant 0 : i32
    %dma_start3A_75 = arith.constant 0 : i32
    %dma_start3A_76 = tpu.memref_slice %arg2[%dma_start3A_74, %dma_start3A_75] : memref<65536x768xf32, #tpu.memory_space<hbm>> -> memref<65536x768xf32, #tpu.memory_space<hbm>>
    tpu.enqueue_indirect_dma source(%dma_start3A_76 : memref<65536x768xf32, #tpu.memory_space<hbm>>) target(%arg7 : memref<32x768xf32, #tpu.memory_space<vmem>>) offsets(%dma_start3A_73 : memref<32xi32, #tpu.memory_space<vmem>>) semaphore(%arg12 : memref<!tpu.dma_semaphore, #tpu.memory_space<semaphore_mem>>)
    %dma_wait3A_77 = arith.constant 96 : i32
    %dma_wait3A_78 = tpu.memref_slice %arg5[%dma_wait3A_77] : memref<512xi32, #tpu.memory_space<vmem>> -> memref<32xi32, #tpu.memory_space<vmem>>
    %dma_wait3A_79 = arith.constant 0 : i32
    %dma_wait3A_80 = arith.constant 0 : i32
    %dma_wait3A_81 = tpu.memref_slice %arg2[%dma_wait3A_79, %dma_wait3A_80] : memref<65536x768xf32, #tpu.memory_space<hbm>> -> memref<65536x768xf32, #tpu.memory_space<hbm>>
    tpu.wait_indirect_dma semaphore(%arg14 : memref<!tpu.dma_semaphore, #tpu.memory_space<semaphore_mem>>) src(%dma_wait3A_81 : memref<65536x768xf32, #tpu.memory_space<hbm>>) dst(%arg9 : memref<32x768xf32, #tpu.memory_space<vmem>>)
    %add3A_82 = arith.constant 96 : i32
    %add3A_83 = arith.addi %mul3A_2, %add3A_82 : i32
    %dma_start3A_84 = arith.constant 0 : i32
    %dma_start3A_85 = tpu.memref_slice %arg4[%add3A_83, %dma_start3A_84] : memref<16384x768xf32, #tpu.memory_space<hbm>> -> memref<32x768xf32, #tpu.memory_space<hbm>>
    %dma_start3A_86 = arith.constant 0 : i32
    %dma_start3A_87 = tpu.memref_slice %arg4[%add3A_83, %dma_start3A_86] : memref<16384x768xf32, #tpu.memory_space<hbm>> -> memref<32x768xf32, #tpu.memory_space<hbm>>
    tpu.enqueue_dma source(%arg9 : memref<32x768xf32, #tpu.memory_space<vmem>>) target(%dma_start3A_87 : memref<32x768xf32, #tpu.memory_space<hbm>>) target_semaphore(%arg19 : memref<!tpu.dma_semaphore, #tpu.memory_space<semaphore_mem>>)
    %dma_wait3A_88 = arith.constant 0 : i32
    %dma_wait3A_89 = tpu.memref_slice %arg4[%add3A_63, %dma_wait3A_88] : memref<16384x768xf32, #tpu.memory_space<hbm>> -> memref<32x768xf32, #tpu.memory_space<hbm>>
    %dma_wait3A_90 = arith.constant 0 : i32
    %dma_wait3A_91 = tpu.memref_slice %arg4[%add3A_63, %dma_wait3A_90] : memref<16384x768xf32, #tpu.memory_space<hbm>> -> memref<32x768xf32, #tpu.memory_space<hbm>>
    tpu.wait_dma2 semaphore(%arg18 : memref<!tpu.dma_semaphore, #tpu.memory_space<semaphore_mem>>) src(%arg8 : memref<32x768xf32, #tpu.memory_space<vmem>>) dst(%dma_wait3A_91 : memref<32x768xf32, #tpu.memory_space<hbm>>)
    %dma_start3A_92 = arith.constant 224 : i32
    %dma_start3A_93 = tpu.memref_slice %arg5[%dma_start3A_92] : memref<512xi32, #tpu.memory_space<vmem>> -> memref<32xi32, #tpu.memory_space<vmem>>
    %dma_start3A_94 = arith.constant 0 : i32
    %dma_start3A_95 = arith.constant 0 : i32
    %dma_start3A_96 = tpu.memref_slice %arg2[%dma_start3A_94, %dma_start3A_95] : memref<65536x768xf32, #tpu.memory_space<hbm>> -> memref<65536x768xf32, #tpu.memory_space<hbm>>
    tpu.enqueue_indirect_dma source(%dma_start3A_96 : memref<65536x768xf32, #tpu.memory_space<hbm>>) target(%arg8 : memref<32x768xf32, #tpu.memory_space<vmem>>) offsets(%dma_start3A_93 : memref<32xi32, #tpu.memory_space<vmem>>) semaphore(%arg13 : memref<!tpu.dma_semaphore, #tpu.memory_space<semaphore_mem>>)
    %dma_wait3A_97 = arith.constant 128 : i32
    %dma_wait3A_98 = tpu.memref_slice %arg5[%dma_wait3A_97] : memref<512xi32, #tpu.memory_space<vmem>> -> memref<32xi32, #tpu.memory_space<vmem>>
    %dma_wait3A_99 = arith.constant 0 : i32
    %dma_wait3A_100 = arith.constant 0 : i32
    %dma_wait3A_101 = tpu.memref_slice %arg2[%dma_wait3A_99, %dma_wait3A_100] : memref<65536x768xf32, #tpu.memory_space<hbm>> -> memref<65536x768xf32, #tpu.memory_space<hbm>>
    tpu.wait_indirect_dma semaphore(%arg15 : memref<!tpu.dma_semaphore, #tpu.memory_space<semaphore_mem>>) src(%dma_wait3A_101 : memref<65536x768xf32, #tpu.memory_space<hbm>>) dst(%arg10 : memref<32x768xf32, #tpu.memory_space<vmem>>)
    %add3A_102 = arith.constant 128 : i32
    %add3A_103 = arith.addi %mul3A_2, %add3A_102 : i32
    %dma_start3A_104 = arith.constant 0 : i32
    %dma_start3A_105 = tpu.memref_slice %arg4[%add3A_103, %dma_start3A_104] : memref<16384x768xf32, #tpu.memory_space<hbm>> -> memref<32x768xf32, #tpu.memory_space<hbm>>
    %dma_start3A_106 = arith.constant 0 : i32
    %dma_start3A_107 = tpu.memref_slice %arg4[%add3A_103, %dma_start3A_106] : memref<16384x768xf32, #tpu.memory_space<hbm>> -> memref<32x768xf32, #tpu.memory_space<hbm>>
    tpu.enqueue_dma source(%arg10 : memref<32x768xf32, #tpu.memory_space<vmem>>) target(%dma_start3A_107 : memref<32x768xf32, #tpu.memory_space<hbm>>) target_semaphore(%arg20 : memref<!tpu.dma_semaphore, #tpu.memory_space<semaphore_mem>>)
    %dma_wait3A_108 = arith.constant 0 : i32
    %dma_wait3A_109 = tpu.memref_slice %arg4[%add3A_83, %dma_wait3A_108] : memref<16384x768xf32, #tpu.memory_space<hbm>> -> memref<32x768xf32, #tpu.memory_space<hbm>>
    %dma_wait3A_110 = arith.constant 0 : i32
    %dma_wait3A_111 = tpu.memref_slice %arg4[%add3A_83, %dma_wait3A_110] : memref<16384x768xf32, #tpu.memory_space<hbm>> -> memref<32x768xf32, #tpu.memory_space<hbm>>
    tpu.wait_dma2 semaphore(%arg19 : memref<!tpu.dma_semaphore, #tpu.memory_space<semaphore_mem>>) src(%arg9 : memref<32x768xf32, #tpu.memory_space<vmem>>) dst(%dma_wait3A_111 : memref<32x768xf32, #tpu.memory_space<hbm>>)
    %dma_start3A_112 = arith.constant 256 : i32
    %dma_start3A_113 = tpu.memref_slice %arg5[%dma_start3A_112] : memref<512xi32, #tpu.memory_space<vmem>> -> memref<32xi32, #tpu.memory_space<vmem>>
    %dma_start3A_114 = arith.constant 0 : i32
    %dma_start3A_115 = arith.constant 0 : i32
    %dma_start3A_116 = tpu.memref_slice %arg2[%dma_start3A_114, %dma_start3A_115] : memref<65536x768xf32, #tpu.memory_space<hbm>> -> memref<65536x768xf32, #tpu.memory_space<hbm>>
    tpu.enqueue_indirect_dma source(%dma_start3A_116 : memref<65536x768xf32, #tpu.memory_space<hbm>>) target(%arg9 : memref<32x768xf32, #tpu.memory_space<vmem>>) offsets(%dma_start3A_113 : memref<32xi32, #tpu.memory_space<vmem>>) semaphore(%arg14 : memref<!tpu.dma_semaphore, #tpu.memory_space<semaphore_mem>>)
    %dma_wait3A_117 = arith.constant 160 : i32
    %dma_wait3A_118 = tpu.memref_slice %arg5[%dma_wait3A_117] : memref<512xi32, #tpu.memory_space<vmem>> -> memref<32xi32, #tpu.memory_space<vmem>>
    %dma_wait3A_119 = arith.constant 0 : i32
    %dma_wait3A_120 = arith.constant 0 : i32
    %dma_wait3A_121 = tpu.memref_slice %arg2[%dma_wait3A_119, %dma_wait3A_120] : memref<65536x768xf32, #tpu.memory_space<hbm>> -> memref<65536x768xf32, #tpu.memory_space<hbm>>
    tpu.wait_indirect_dma semaphore(%arg11 : memref<!tpu.dma_semaphore, #tpu.memory_space<semaphore_mem>>) src(%dma_wait3A_121 : memref<65536x768xf32, #tpu.memory_space<hbm>>) dst(%arg6 : memref<32x768xf32, #tpu.memory_space<vmem>>)
    %add3A_122 = arith.constant 160 : i32
    %add3A_123 = arith.addi %mul3A_2, %add3A_122 : i32
    %dma_start3A_124 = arith.constant 0 : i32
    %dma_start3A_125 = tpu.memref_slice %arg4[%add3A_123, %dma_start3A_124] : memref<16384x768xf32, #tpu.memory_space<hbm>> -> memref<32x768xf32, #tpu.memory_space<hbm>>
    %dma_start3A_126 = arith.constant 0 : i32
    %dma_start3A_127 = tpu.memref_slice %arg4[%add3A_123, %dma_start3A_126] : memref<16384x768xf32, #tpu.memory_space<hbm>> -> memref<32x768xf32, #tpu.memory_space<hbm>>
    tpu.enqueue_dma source(%arg6 : memref<32x768xf32, #tpu.memory_space<vmem>>) target(%dma_start3A_127 : memref<32x768xf32, #tpu.memory_space<hbm>>) target_semaphore(%arg16 : memref<!tpu.dma_semaphore, #tpu.memory_space<semaphore_mem>>)
    %dma_wait3A_128 = arith.constant 0 : i32
    %dma_wait3A_129 = tpu.memref_slice %arg4[%add3A_103, %dma_wait3A_128] : memref<16384x768xf32, #tpu.memory_space<hbm>> -> memref<32x768xf32, #tpu.memory_space<hbm>>
    %dma_wait3A_130 = arith.constant 0 : i32
    %dma_wait3A_131 = tpu.memref_slice %arg4[%add3A_103, %dma_wait3A_130] : memref<16384x768xf32, #tpu.memory_space<hbm>> -> memref<32x768xf32, #tpu.memory_space<hbm>>
    tpu.wait_dma2 semaphore(%arg20 : memref<!tpu.dma_semaphore, #tpu.memory_space<semaphore_mem>>) src(%arg10 : memref<32x768xf32, #tpu.memory_space<vmem>>) dst(%dma_wait3A_131 : memref<32x768xf32, #tpu.memory_space<hbm>>)
    %dma_start3A_132 = arith.constant 288 : i32
    %dma_start3A_133 = tpu.memref_slice %arg5[%dma_start3A_132] : memref<512xi32, #tpu.memory_space<vmem>> -> memref<32xi32, #tpu.memory_space<vmem>>
    %dma_start3A_134 = arith.constant 0 : i32
    %dma_start3A_135 = arith.constant 0 : i32
    %dma_start3A_136 = tpu.memref_slice %arg2[%dma_start3A_134, %dma_start3A_135] : memref<65536x768xf32, #tpu.memory_space<hbm>> -> memref<65536x768xf32, #tpu.memory_space<hbm>>
    tpu.enqueue_indirect_dma source(%dma_start3A_136 : memref<65536x768xf32, #tpu.memory_space<hbm>>) target(%arg10 : memref<32x768xf32, #tpu.memory_space<vmem>>) offsets(%dma_start3A_133 : memref<32xi32, #tpu.memory_space<vmem>>) semaphore(%arg15 : memref<!tpu.dma_semaphore, #tpu.memory_space<semaphore_mem>>)
    %dma_wait3A_137 = arith.constant 192 : i32
    %dma_wait3A_138 = tpu.memref_slice %arg5[%dma_wait3A_137] : memref<512xi32, #tpu.memory_space<vmem>> -> memref<32xi32, #tpu.memory_space<vmem>>
    %dma_wait3A_139 = arith.constant 0 : i32
    %dma_wait3A_140 = arith.constant 0 : i32
    %dma_wait3A_141 = tpu.memref_slice %arg2[%dma_wait3A_139, %dma_wait3A_140] : memref<65536x768xf32, #tpu.memory_space<hbm>> -> memref<65536x768xf32, #tpu.memory_space<hbm>>
    tpu.wait_indirect_dma semaphore(%arg12 : memref<!tpu.dma_semaphore, #tpu.memory_space<semaphore_mem>>) src(%dma_wait3A_141 : memref<65536x768xf32, #tpu.memory_space<hbm>>) dst(%arg7 : memref<32x768xf32, #tpu.memory_space<vmem>>)
    %add3A_142 = arith.constant 192 : i32
    %add3A_143 = arith.addi %mul3A_2, %add3A_142 : i32
    %dma_start3A_144 = arith.constant 0 : i32
    %dma_start3A_145 = tpu.memref_slice %arg4[%add3A_143, %dma_start3A_144] : memref<16384x768xf32, #tpu.memory_space<hbm>> -> memref<32x768xf32, #tpu.memory_space<hbm>>
    %dma_start3A_146 = arith.constant 0 : i32
    %dma_start3A_147 = tpu.memref_slice %arg4[%add3A_143, %dma_start3A_146] : memref<16384x768xf32, #tpu.memory_space<hbm>> -> memref<32x768xf32, #tpu.memory_space<hbm>>
    tpu.enqueue_dma source(%arg7 : memref<32x768xf32, #tpu.memory_space<vmem>>) target(%dma_start3A_147 : memref<32x768xf32, #tpu.memory_space<hbm>>) target_semaphore(%arg17 : memref<!tpu.dma_semaphore, #tpu.memory_space<semaphore_mem>>)
    %dma_wait3A_148 = arith.constant 0 : i32
    %dma_wait3A_149 = tpu.memref_slice %arg4[%add3A_123, %dma_wait3A_148] : memref<16384x768xf32, #tpu.memory_space<hbm>> -> memref<32x768xf32, #tpu.memory_space<hbm>>
    %dma_wait3A_150 = arith.constant 0 : i32
    %dma_wait3A_151 = tpu.memref_slice %arg4[%add3A_123, %dma_wait3A_150] : memref<16384x768xf32, #tpu.memory_space<hbm>> -> memref<32x768xf32, #tpu.memory_space<hbm>>
    tpu.wait_dma2 semaphore(%arg16 : memref<!tpu.dma_semaphore, #tpu.memory_space<semaphore_mem>>) src(%arg6 : memref<32x768xf32, #tpu.memory_space<vmem>>) dst(%dma_wait3A_151 : memref<32x768xf32, #tpu.memory_space<hbm>>)
    %dma_start3A_152 = arith.constant 320 : i32
    %dma_start3A_153 = tpu.memref_slice %arg5[%dma_start3A_152] : memref<512xi32, #tpu.memory_space<vmem>> -> memref<32xi32, #tpu.memory_space<vmem>>
    %dma_start3A_154 = arith.constant 0 : i32
    %dma_start3A_155 = arith.constant 0 : i32
    %dma_start3A_156 = tpu.memref_slice %arg2[%dma_start3A_154, %dma_start3A_155] : memref<65536x768xf32, #tpu.memory_space<hbm>> -> memref<65536x768xf32, #tpu.memory_space<hbm>>
    tpu.enqueue_indirect_dma source(%dma_start3A_156 : memref<65536x768xf32, #tpu.memory_space<hbm>>) target(%arg6 : memref<32x768xf32, #tpu.memory_space<vmem>>) offsets(%dma_start3A_153 : memref<32xi32, #tpu.memory_space<vmem>>) semaphore(%arg11 : memref<!tpu.dma_semaphore, #tpu.memory_space<semaphore_mem>>)
    %dma_wait3A_157 = arith.constant 224 : i32
    %dma_wait3A_158 = tpu.memref_slice %arg5[%dma_wait3A_157] : memref<512xi32, #tpu.memory_space<vmem>> -> memref<32xi32, #tpu.memory_space<vmem>>
    %dma_wait3A_159 = arith.constant 0 : i32
    %dma_wait3A_160 = arith.constant 0 : i32
    %dma_wait3A_161 = tpu.memref_slice %arg2[%dma_wait3A_159, %dma_wait3A_160] : memref<65536x768xf32, #tpu.memory_space<hbm>> -> memref<65536x768xf32, #tpu.memory_space<hbm>>
    tpu.wait_indirect_dma semaphore(%arg13 : memref<!tpu.dma_semaphore, #tpu.memory_space<semaphore_mem>>) src(%dma_wait3A_161 : memref<65536x768xf32, #tpu.memory_space<hbm>>) dst(%arg8 : memref<32x768xf32, #tpu.memory_space<vmem>>)
    %add3A_162 = arith.constant 224 : i32
    %add3A_163 = arith.addi %mul3A_2, %add3A_162 : i32
    %dma_start3A_164 = arith.constant 0 : i32
    %dma_start3A_165 = tpu.memref_slice %arg4[%add3A_163, %dma_start3A_164] : memref<16384x768xf32, #tpu.memory_space<hbm>> -> memref<32x768xf32, #tpu.memory_space<hbm>>
    %dma_start3A_166 = arith.constant 0 : i32
    %dma_start3A_167 = tpu.memref_slice %arg4[%add3A_163, %dma_start3A_166] : memref<16384x768xf32, #tpu.memory_space<hbm>> -> memref<32x768xf32, #tpu.memory_space<hbm>>
    tpu.enqueue_dma source(%arg8 : memref<32x768xf32, #tpu.memory_space<vmem>>) target(%dma_start3A_167 : memref<32x768xf32, #tpu.memory_space<hbm>>) target_semaphore(%arg18 : memref<!tpu.dma_semaphore, #tpu.memory_space<semaphore_mem>>)
    %dma_wait3A_168 = arith.constant 0 : i32
    %dma_wait3A_169 = tpu.memref_slice %arg4[%add3A_143, %dma_wait3A_168] : memref<16384x768xf32, #tpu.memory_space<hbm>> -> memref<32x768xf32, #tpu.memory_space<hbm>>
    %dma_wait3A_170 = arith.constant 0 : i32
    %dma_wait3A_171 = tpu.memref_slice %arg4[%add3A_143, %dma_wait3A_170] : memref<16384x768xf32, #tpu.memory_space<hbm>> -> memref<32x768xf32, #tpu.memory_space<hbm>>
    tpu.wait_dma2 semaphore(%arg17 : memref<!tpu.dma_semaphore, #tpu.memory_space<semaphore_mem>>) src(%arg7 : memref<32x768xf32, #tpu.memory_space<vmem>>) dst(%dma_wait3A_171 : memref<32x768xf32, #tpu.memory_space<hbm>>)
    %dma_start3A_172 = arith.constant 352 : i32
    %dma_start3A_173 = tpu.memref_slice %arg5[%dma_start3A_172] : memref<512xi32, #tpu.memory_space<vmem>> -> memref<32xi32, #tpu.memory_space<vmem>>
    %dma_start3A_174 = arith.constant 0 : i32
    %dma_start3A_175 = arith.constant 0 : i32
    %dma_start3A_176 = tpu.memref_slice %arg2[%dma_start3A_174, %dma_start3A_175] : memref<65536x768xf32, #tpu.memory_space<hbm>> -> memref<65536x768xf32, #tpu.memory_space<hbm>>
    tpu.enqueue_indirect_dma source(%dma_start3A_176 : memref<65536x768xf32, #tpu.memory_space<hbm>>) target(%arg7 : memref<32x768xf32, #tpu.memory_space<vmem>>) offsets(%dma_start3A_173 : memref<32xi32, #tpu.memory_space<vmem>>) semaphore(%arg12 : memref<!tpu.dma_semaphore, #tpu.memory_space<semaphore_mem>>)
    %dma_wait3A_177 = arith.constant 256 : i32
    %dma_wait3A_178 = tpu.memref_slice %arg5[%dma_wait3A_177] : memref<512xi32, #tpu.memory_space<vmem>> -> memref<32xi32, #tpu.memory_space<vmem>>
    %dma_wait3A_179 = arith.constant 0 : i32
    %dma_wait3A_180 = arith.constant 0 : i32
    %dma_wait3A_181 = tpu.memref_slice %arg2[%dma_wait3A_179, %dma_wait3A_180] : memref<65536x768xf32, #tpu.memory_space<hbm>> -> memref<65536x768xf32, #tpu.memory_space<hbm>>
    tpu.wait_indirect_dma semaphore(%arg14 : memref<!tpu.dma_semaphore, #tpu.memory_space<semaphore_mem>>) src(%dma_wait3A_181 : memref<65536x768xf32, #tpu.memory_space<hbm>>) dst(%arg9 : memref<32x768xf32, #tpu.memory_space<vmem>>)
    %add3A_182 = arith.constant 256 : i32
    %add3A_183 = arith.addi %mul3A_2, %add3A_182 : i32
    %dma_start3A_184 = arith.constant 0 : i32
    %dma_start3A_185 = tpu.memref_slice %arg4[%add3A_183, %dma_start3A_184] : memref<16384x768xf32, #tpu.memory_space<hbm>> -> memref<32x768xf32, #tpu.memory_space<hbm>>
    %dma_start3A_186 = arith.constant 0 : i32
    %dma_start3A_187 = tpu.memref_slice %arg4[%add3A_183, %dma_start3A_186] : memref<16384x768xf32, #tpu.memory_space<hbm>> -> memref<32x768xf32, #tpu.memory_space<hbm>>
    tpu.enqueue_dma source(%arg9 : memref<32x768xf32, #tpu.memory_space<vmem>>) target(%dma_start3A_187 : memref<32x768xf32, #tpu.memory_space<hbm>>) target_semaphore(%arg19 : memref<!tpu.dma_semaphore, #tpu.memory_space<semaphore_mem>>)
    %dma_wait3A_188 = arith.constant 0 : i32
    %dma_wait3A_189 = tpu.memref_slice %arg4[%add3A_163, %dma_wait3A_188] : memref<16384x768xf32, #tpu.memory_space<hbm>> -> memref<32x768xf32, #tpu.memory_space<hbm>>
    %dma_wait3A_190 = arith.constant 0 : i32
    %dma_wait3A_191 = tpu.memref_slice %arg4[%add3A_163, %dma_wait3A_190] : memref<16384x768xf32, #tpu.memory_space<hbm>> -> memref<32x768xf32, #tpu.memory_space<hbm>>
    tpu.wait_dma2 semaphore(%arg18 : memref<!tpu.dma_semaphore, #tpu.memory_space<semaphore_mem>>) src(%arg8 : memref<32x768xf32, #tpu.memory_space<vmem>>) dst(%dma_wait3A_191 : memref<32x768xf32, #tpu.memory_space<hbm>>)
    %dma_start3A_192 = arith.constant 384 : i32
    %dma_start3A_193 = tpu.memref_slice %arg5[%dma_start3A_192] : memref<512xi32, #tpu.memory_space<vmem>> -> memref<32xi32, #tpu.memory_space<vmem>>
    %dma_start3A_194 = arith.constant 0 : i32
    %dma_start3A_195 = arith.constant 0 : i32
    %dma_start3A_196 = tpu.memref_slice %arg2[%dma_start3A_194, %dma_start3A_195] : memref<65536x768xf32, #tpu.memory_space<hbm>> -> memref<65536x768xf32, #tpu.memory_space<hbm>>
    tpu.enqueue_indirect_dma source(%dma_start3A_196 : memref<65536x768xf32, #tpu.memory_space<hbm>>) target(%arg8 : memref<32x768xf32, #tpu.memory_space<vmem>>) offsets(%dma_start3A_193 : memref<32xi32, #tpu.memory_space<vmem>>) semaphore(%arg13 : memref<!tpu.dma_semaphore, #tpu.memory_space<semaphore_mem>>)
    %dma_wait3A_197 = arith.constant 288 : i32
    %dma_wait3A_198 = tpu.memref_slice %arg5[%dma_wait3A_197] : memref<512xi32, #tpu.memory_space<vmem>> -> memref<32xi32, #tpu.memory_space<vmem>>
    %dma_wait3A_199 = arith.constant 0 : i32
    %dma_wait3A_200 = arith.constant 0 : i32
    %dma_wait3A_201 = tpu.memref_slice %arg2[%dma_wait3A_199, %dma_wait3A_200] : memref<65536x768xf32, #tpu.memory_space<hbm>> -> memref<65536x768xf32, #tpu.memory_space<hbm>>
    tpu.wait_indirect_dma semaphore(%arg15 : memref<!tpu.dma_semaphore, #tpu.memory_space<semaphore_mem>>) src(%dma_wait3A_201 : memref<65536x768xf32, #tpu.memory_space<hbm>>) dst(%arg10 : memref<32x768xf32, #tpu.memory_space<vmem>>)
    %add3A_202 = arith.constant 288 : i32
    %add3A_203 = arith.addi %mul3A_2, %add3A_202 : i32
    %dma_start3A_204 = arith.constant 0 : i32
    %dma_start3A_205 = tpu.memref_slice %arg4[%add3A_203, %dma_start3A_204] : memref<16384x768xf32, #tpu.memory_space<hbm>> -> memref<32x768xf32, #tpu.memory_space<hbm>>
    %dma_start3A_206 = arith.constant 0 : i32
    %dma_start3A_207 = tpu.memref_slice %arg4[%add3A_203, %dma_start3A_206] : memref<16384x768xf32, #tpu.memory_space<hbm>> -> memref<32x768xf32, #tpu.memory_space<hbm>>
    tpu.enqueue_dma source(%arg10 : memref<32x768xf32, #tpu.memory_space<vmem>>) target(%dma_start3A_207 : memref<32x768xf32, #tpu.memory_space<hbm>>) target_semaphore(%arg20 : memref<!tpu.dma_semaphore, #tpu.memory_space<semaphore_mem>>)
    %dma_wait3A_208 = arith.constant 0 : i32
    %dma_wait3A_209 = tpu.memref_slice %arg4[%add3A_183, %dma_wait3A_208] : memref<16384x768xf32, #tpu.memory_space<hbm>> -> memref<32x768xf32, #tpu.memory_space<hbm>>
    %dma_wait3A_210 = arith.constant 0 : i32
    %dma_wait3A_211 = tpu.memref_slice %arg4[%add3A_183, %dma_wait3A_210] : memref<16384x768xf32, #tpu.memory_space<hbm>> -> memref<32x768xf32, #tpu.memory_space<hbm>>
    tpu.wait_dma2 semaphore(%arg19 : memref<!tpu.dma_semaphore, #tpu.memory_space<semaphore_mem>>) src(%arg9 : memref<32x768xf32, #tpu.memory_space<vmem>>) dst(%dma_wait3A_211 : memref<32x768xf32, #tpu.memory_space<hbm>>)
    %dma_start3A_212 = arith.constant 416 : i32
    %dma_start3A_213 = tpu.memref_slice %arg5[%dma_start3A_212] : memref<512xi32, #tpu.memory_space<vmem>> -> memref<32xi32, #tpu.memory_space<vmem>>
    %dma_start3A_214 = arith.constant 0 : i32
    %dma_start3A_215 = arith.constant 0 : i32
    %dma_start3A_216 = tpu.memref_slice %arg2[%dma_start3A_214, %dma_start3A_215] : memref<65536x768xf32, #tpu.memory_space<hbm>> -> memref<65536x768xf32, #tpu.memory_space<hbm>>
    tpu.enqueue_indirect_dma source(%dma_start3A_216 : memref<65536x768xf32, #tpu.memory_space<hbm>>) target(%arg9 : memref<32x768xf32, #tpu.memory_space<vmem>>) offsets(%dma_start3A_213 : memref<32xi32, #tpu.memory_space<vmem>>) semaphore(%arg14 : memref<!tpu.dma_semaphore, #tpu.memory_space<semaphore_mem>>)
    %dma_wait3A_217 = arith.constant 320 : i32
    %dma_wait3A_218 = tpu.memref_slice %arg5[%dma_wait3A_217] : memref<512xi32, #tpu.memory_space<vmem>> -> memref<32xi32, #tpu.memory_space<vmem>>
    %dma_wait3A_219 = arith.constant 0 : i32
    %dma_wait3A_220 = arith.constant 0 : i32
    %dma_wait3A_221 = tpu.memref_slice %arg2[%dma_wait3A_219, %dma_wait3A_220] : memref<65536x768xf32, #tpu.memory_space<hbm>> -> memref<65536x768xf32, #tpu.memory_space<hbm>>
    tpu.wait_indirect_dma semaphore(%arg11 : memref<!tpu.dma_semaphore, #tpu.memory_space<semaphore_mem>>) src(%dma_wait3A_221 : memref<65536x768xf32, #tpu.memory_space<hbm>>) dst(%arg6 : memref<32x768xf32, #tpu.memory_space<vmem>>)
    %add3A_222 = arith.constant 320 : i32
    %add3A_223 = arith.addi %mul3A_2, %add3A_222 : i32
    %dma_start3A_224 = arith.constant 0 : i32
    %dma_start3A_225 = tpu.memref_slice %arg4[%add3A_223, %dma_start3A_224] : memref<16384x768xf32, #tpu.memory_space<hbm>> -> memref<32x768xf32, #tpu.memory_space<hbm>>
    %dma_start3A_226 = arith.constant 0 : i32
    %dma_start3A_227 = tpu.memref_slice %arg4[%add3A_223, %dma_start3A_226] : memref<16384x768xf32, #tpu.memory_space<hbm>> -> memref<32x768xf32, #tpu.memory_space<hbm>>
    tpu.enqueue_dma source(%arg6 : memref<32x768xf32, #tpu.memory_space<vmem>>) target(%dma_start3A_227 : memref<32x768xf32, #tpu.memory_space<hbm>>) target_semaphore(%arg16 : memref<!tpu.dma_semaphore, #tpu.memory_space<semaphore_mem>>)
    %dma_wait3A_228 = arith.constant 0 : i32
    %dma_wait3A_229 = tpu.memref_slice %arg4[%add3A_203, %dma_wait3A_228] : memref<16384x768xf32, #tpu.memory_space<hbm>> -> memref<32x768xf32, #tpu.memory_space<hbm>>
    %dma_wait3A_230 = arith.constant 0 : i32
    %dma_wait3A_231 = tpu.memref_slice %arg4[%add3A_203, %dma_wait3A_230] : memref<16384x768xf32, #tpu.memory_space<hbm>> -> memref<32x768xf32, #tpu.memory_space<hbm>>
    tpu.wait_dma2 semaphore(%arg20 : memref<!tpu.dma_semaphore, #tpu.memory_space<semaphore_mem>>) src(%arg10 : memref<32x768xf32, #tpu.memory_space<vmem>>) dst(%dma_wait3A_231 : memref<32x768xf32, #tpu.memory_space<hbm>>)
    %dma_start3A_232 = arith.constant 448 : i32
    %dma_start3A_233 = tpu.memref_slice %arg5[%dma_start3A_232] : memref<512xi32, #tpu.memory_space<vmem>> -> memref<32xi32, #tpu.memory_space<vmem>>
    %dma_start3A_234 = arith.constant 0 : i32
    %dma_start3A_235 = arith.constant 0 : i32
    %dma_start3A_236 = tpu.memref_slice %arg2[%dma_start3A_234, %dma_start3A_235] : memref<65536x768xf32, #tpu.memory_space<hbm>> -> memref<65536x768xf32, #tpu.memory_space<hbm>>
    tpu.enqueue_indirect_dma source(%dma_start3A_236 : memref<65536x768xf32, #tpu.memory_space<hbm>>) target(%arg10 : memref<32x768xf32, #tpu.memory_space<vmem>>) offsets(%dma_start3A_233 : memref<32xi32, #tpu.memory_space<vmem>>) semaphore(%arg15 : memref<!tpu.dma_semaphore, #tpu.memory_space<semaphore_mem>>)
    %dma_wait3A_237 = arith.constant 352 : i32
    %dma_wait3A_238 = tpu.memref_slice %arg5[%dma_wait3A_237] : memref<512xi32, #tpu.memory_space<vmem>> -> memref<32xi32, #tpu.memory_space<vmem>>
    %dma_wait3A_239 = arith.constant 0 : i32
    %dma_wait3A_240 = arith.constant 0 : i32
    %dma_wait3A_241 = tpu.memref_slice %arg2[%dma_wait3A_239, %dma_wait3A_240] : memref<65536x768xf32, #tpu.memory_space<hbm>> -> memref<65536x768xf32, #tpu.memory_space<hbm>>
    tpu.wait_indirect_dma semaphore(%arg12 : memref<!tpu.dma_semaphore, #tpu.memory_space<semaphore_mem>>) src(%dma_wait3A_241 : memref<65536x768xf32, #tpu.memory_space<hbm>>) dst(%arg7 : memref<32x768xf32, #tpu.memory_space<vmem>>)
    %add3A_242 = arith.constant 352 : i32
    %add3A_243 = arith.addi %mul3A_2, %add3A_242 : i32
    %dma_start3A_244 = arith.constant 0 : i32
    %dma_start3A_245 = tpu.memref_slice %arg4[%add3A_243, %dma_start3A_244] : memref<16384x768xf32, #tpu.memory_space<hbm>> -> memref<32x768xf32, #tpu.memory_space<hbm>>
    %dma_start3A_246 = arith.constant 0 : i32
    %dma_start3A_247 = tpu.memref_slice %arg4[%add3A_243, %dma_start3A_246] : memref<16384x768xf32, #tpu.memory_space<hbm>> -> memref<32x768xf32, #tpu.memory_space<hbm>>
    tpu.enqueue_dma source(%arg7 : memref<32x768xf32, #tpu.memory_space<vmem>>) target(%dma_start3A_247 : memref<32x768xf32, #tpu.memory_space<hbm>>) target_semaphore(%arg17 : memref<!tpu.dma_semaphore, #tpu.memory_space<semaphore_mem>>)
    %dma_wait3A_248 = arith.constant 0 : i32
    %dma_wait3A_249 = tpu.memref_slice %arg4[%add3A_223, %dma_wait3A_248] : memref<16384x768xf32, #tpu.memory_space<hbm>> -> memref<32x768xf32, #tpu.memory_space<hbm>>
    %dma_wait3A_250 = arith.constant 0 : i32
    %dma_wait3A_251 = tpu.memref_slice %arg4[%add3A_223, %dma_wait3A_250] : memref<16384x768xf32, #tpu.memory_space<hbm>> -> memref<32x768xf32, #tpu.memory_space<hbm>>
    tpu.wait_dma2 semaphore(%arg16 : memref<!tpu.dma_semaphore, #tpu.memory_space<semaphore_mem>>) src(%arg6 : memref<32x768xf32, #tpu.memory_space<vmem>>) dst(%dma_wait3A_251 : memref<32x768xf32, #tpu.memory_space<hbm>>)
    %dma_start3A_252 = arith.constant 480 : i32
    %dma_start3A_253 = tpu.memref_slice %arg5[%dma_start3A_252] : memref<512xi32, #tpu.memory_space<vmem>> -> memref<32xi32, #tpu.memory_space<vmem>>
    %dma_start3A_254 = arith.constant 0 : i32
    %dma_start3A_255 = arith.constant 0 : i32
    %dma_start3A_256 = tpu.memref_slice %arg2[%dma_start3A_254, %dma_start3A_255] : memref<65536x768xf32, #tpu.memory_space<hbm>> -> memref<65536x768xf32, #tpu.memory_space<hbm>>
    tpu.enqueue_indirect_dma source(%dma_start3A_256 : memref<65536x768xf32, #tpu.memory_space<hbm>>) target(%arg6 : memref<32x768xf32, #tpu.memory_space<vmem>>) offsets(%dma_start3A_253 : memref<32xi32, #tpu.memory_space<vmem>>) semaphore(%arg11 : memref<!tpu.dma_semaphore, #tpu.memory_space<semaphore_mem>>)
    %dma_wait3A_257 = arith.constant 384 : i32
    %dma_wait3A_258 = tpu.memref_slice %arg5[%dma_wait3A_257] : memref<512xi32, #tpu.memory_space<vmem>> -> memref<32xi32, #tpu.memory_space<vmem>>
    %dma_wait3A_259 = arith.constant 0 : i32
    %dma_wait3A_260 = arith.constant 0 : i32
    %dma_wait3A_261 = tpu.memref_slice %arg2[%dma_wait3A_259, %dma_wait3A_260] : memref<65536x768xf32, #tpu.memory_space<hbm>> -> memref<65536x768xf32, #tpu.memory_space<hbm>>
    tpu.wait_indirect_dma semaphore(%arg13 : memref<!tpu.dma_semaphore, #tpu.memory_space<semaphore_mem>>) src(%dma_wait3A_261 : memref<65536x768xf32, #tpu.memory_space<hbm>>) dst(%arg8 : memref<32x768xf32, #tpu.memory_space<vmem>>)
    %add3A_262 = arith.constant 384 : i32
    %add3A_263 = arith.addi %mul3A_2, %add3A_262 : i32
    %dma_start3A_264 = arith.constant 0 : i32
    %dma_start3A_265 = tpu.memref_slice %arg4[%add3A_263, %dma_start3A_264] : memref<16384x768xf32, #tpu.memory_space<hbm>> -> memref<32x768xf32, #tpu.memory_space<hbm>>
    %dma_start3A_266 = arith.constant 0 : i32
    %dma_start3A_267 = tpu.memref_slice %arg4[%add3A_263, %dma_start3A_266] : memref<16384x768xf32, #tpu.memory_space<hbm>> -> memref<32x768xf32, #tpu.memory_space<hbm>>
    tpu.enqueue_dma source(%arg8 : memref<32x768xf32, #tpu.memory_space<vmem>>) target(%dma_start3A_267 : memref<32x768xf32, #tpu.memory_space<hbm>>) target_semaphore(%arg18 : memref<!tpu.dma_semaphore, #tpu.memory_space<semaphore_mem>>)
    %dma_wait3A_268 = arith.constant 416 : i32
    %dma_wait3A_269 = tpu.memref_slice %arg5[%dma_wait3A_268] : memref<512xi32, #tpu.memory_space<vmem>> -> memref<32xi32, #tpu.memory_space<vmem>>
    %dma_wait3A_270 = arith.constant 0 : i32
    %dma_wait3A_271 = arith.constant 0 : i32
    %dma_wait3A_272 = tpu.memref_slice %arg2[%dma_wait3A_270, %dma_wait3A_271] : memref<65536x768xf32, #tpu.memory_space<hbm>> -> memref<65536x768xf32, #tpu.memory_space<hbm>>
    tpu.wait_indirect_dma semaphore(%arg14 : memref<!tpu.dma_semaphore, #tpu.memory_space<semaphore_mem>>) src(%dma_wait3A_272 : memref<65536x768xf32, #tpu.memory_space<hbm>>) dst(%arg9 : memref<32x768xf32, #tpu.memory_space<vmem>>)
    %add3A_273 = arith.constant 416 : i32
    %add3A_274 = arith.addi %mul3A_2, %add3A_273 : i32
    %dma_start3A_275 = arith.constant 0 : i32
    %dma_start3A_276 = tpu.memref_slice %arg4[%add3A_274, %dma_start3A_275] : memref<16384x768xf32, #tpu.memory_space<hbm>> -> memref<32x768xf32, #tpu.memory_space<hbm>>
    %dma_start3A_277 = arith.constant 0 : i32
    %dma_start3A_278 = tpu.memref_slice %arg4[%add3A_274, %dma_start3A_277] : memref<16384x768xf32, #tpu.memory_space<hbm>> -> memref<32x768xf32, #tpu.memory_space<hbm>>
    tpu.enqueue_dma source(%arg9 : memref<32x768xf32, #tpu.memory_space<vmem>>) target(%dma_start3A_278 : memref<32x768xf32, #tpu.memory_space<hbm>>) target_semaphore(%arg19 : memref<!tpu.dma_semaphore, #tpu.memory_space<semaphore_mem>>)
    %dma_wait3A_279 = arith.constant 448 : i32
    %dma_wait3A_280 = tpu.memref_slice %arg5[%dma_wait3A_279] : memref<512xi32, #tpu.memory_space<vmem>> -> memref<32xi32, #tpu.memory_space<vmem>>
    %dma_wait3A_281 = arith.constant 0 : i32
    %dma_wait3A_282 = arith.constant 0 : i32
    %dma_wait3A_283 = tpu.memref_slice %arg2[%dma_wait3A_281, %dma_wait3A_282] : memref<65536x768xf32, #tpu.memory_space<hbm>> -> memref<65536x768xf32, #tpu.memory_space<hbm>>
    tpu.wait_indirect_dma semaphore(%arg15 : memref<!tpu.dma_semaphore, #tpu.memory_space<semaphore_mem>>) src(%dma_wait3A_283 : memref<65536x768xf32, #tpu.memory_space<hbm>>) dst(%arg10 : memref<32x768xf32, #tpu.memory_space<vmem>>)
    %add3A_284 = arith.constant 448 : i32
    %add3A_285 = arith.addi %mul3A_2, %add3A_284 : i32
    %dma_start3A_286 = arith.constant 0 : i32
    %dma_start3A_287 = tpu.memref_slice %arg4[%add3A_285, %dma_start3A_286] : memref<16384x768xf32, #tpu.memory_space<hbm>> -> memref<32x768xf32, #tpu.memory_space<hbm>>
    %dma_start3A_288 = arith.constant 0 : i32
    %dma_start3A_289 = tpu.memref_slice %arg4[%add3A_285, %dma_start3A_288] : memref<16384x768xf32, #tpu.memory_space<hbm>> -> memref<32x768xf32, #tpu.memory_space<hbm>>
    tpu.enqueue_dma source(%arg10 : memref<32x768xf32, #tpu.memory_space<vmem>>) target(%dma_start3A_289 : memref<32x768xf32, #tpu.memory_space<hbm>>) target_semaphore(%arg20 : memref<!tpu.dma_semaphore, #tpu.memory_space<semaphore_mem>>)
    %dma_wait3A_290 = arith.constant 480 : i32
    %dma_wait3A_291 = tpu.memref_slice %arg5[%dma_wait3A_290] : memref<512xi32, #tpu.memory_space<vmem>> -> memref<32xi32, #tpu.memory_space<vmem>>
    %dma_wait3A_292 = arith.constant 0 : i32
    %dma_wait3A_293 = arith.constant 0 : i32
    %dma_wait3A_294 = tpu.memref_slice %arg2[%dma_wait3A_292, %dma_wait3A_293] : memref<65536x768xf32, #tpu.memory_space<hbm>> -> memref<65536x768xf32, #tpu.memory_space<hbm>>
    tpu.wait_indirect_dma semaphore(%arg11 : memref<!tpu.dma_semaphore, #tpu.memory_space<semaphore_mem>>) src(%dma_wait3A_294 : memref<65536x768xf32, #tpu.memory_space<hbm>>) dst(%arg6 : memref<32x768xf32, #tpu.memory_space<vmem>>)
    %add3A_295 = arith.constant 480 : i32
    %add3A_296 = arith.addi %mul3A_2, %add3A_295 : i32
    %dma_start3A_297 = arith.constant 0 : i32
    %dma_start3A_298 = tpu.memref_slice %arg4[%add3A_296, %dma_start3A_297] : memref<16384x768xf32, #tpu.memory_space<hbm>> -> memref<32x768xf32, #tpu.memory_space<hbm>>
    %dma_start3A_299 = arith.constant 0 : i32
    %dma_start3A_300 = tpu.memref_slice %arg4[%add3A_296, %dma_start3A_299] : memref<16384x768xf32, #tpu.memory_space<hbm>> -> memref<32x768xf32, #tpu.memory_space<hbm>>
    tpu.enqueue_dma source(%arg6 : memref<32x768xf32, #tpu.memory_space<vmem>>) target(%dma_start3A_300 : memref<32x768xf32, #tpu.memory_space<hbm>>) target_semaphore(%arg16 : memref<!tpu.dma_semaphore, #tpu.memory_space<semaphore_mem>>)
    %dma_wait3A_301 = arith.constant 0 : i32
    %dma_wait3A_302 = tpu.memref_slice %arg4[%add3A_243, %dma_wait3A_301] : memref<16384x768xf32, #tpu.memory_space<hbm>> -> memref<32x768xf32, #tpu.memory_space<hbm>>
    %dma_wait3A_303 = arith.constant 0 : i32
    %dma_wait3A_304 = tpu.memref_slice %arg4[%add3A_243, %dma_wait3A_303] : memref<16384x768xf32, #tpu.memory_space<hbm>> -> memref<32x768xf32, #tpu.memory_space<hbm>>
    tpu.wait_dma2 semaphore(%arg17 : memref<!tpu.dma_semaphore, #tpu.memory_space<semaphore_mem>>) src(%arg7 : memref<32x768xf32, #tpu.memory_space<vmem>>) dst(%dma_wait3A_304 : memref<32x768xf32, #tpu.memory_space<hbm>>)
    %dma_wait3A_305 = arith.constant 0 : i32
    %dma_wait3A_306 = tpu.memref_slice %arg4[%add3A_263, %dma_wait3A_305] : memref<16384x768xf32, #tpu.memory_space<hbm>> -> memref<32x768xf32, #tpu.memory_space<hbm>>
    %dma_wait3A_307 = arith.constant 0 : i32
    %dma_wait3A_308 = tpu.memref_slice %arg4[%add3A_263, %dma_wait3A_307] : memref<16384x768xf32, #tpu.memory_space<hbm>> -> memref<32x768xf32, #tpu.memory_space<hbm>>
    tpu.wait_dma2 semaphore(%arg18 : memref<!tpu.dma_semaphore, #tpu.memory_space<semaphore_mem>>) src(%arg8 : memref<32x768xf32, #tpu.memory_space<vmem>>) dst(%dma_wait3A_308 : memref<32x768xf32, #tpu.memory_space<hbm>>)
    %dma_wait3A_309 = arith.constant 0 : i32
    %dma_wait3A_310 = tpu.memref_slice %arg4[%add3A_274, %dma_wait3A_309] : memref<16384x768xf32, #tpu.memory_space<hbm>> -> memref<32x768xf32, #tpu.memory_space<hbm>>
    %dma_wait3A_311 = arith.constant 0 : i32
    %dma_wait3A_312 = tpu.memref_slice %arg4[%add3A_274, %dma_wait3A_311] : memref<16384x768xf32, #tpu.memory_space<hbm>> -> memref<32x768xf32, #tpu.memory_space<hbm>>
    tpu.wait_dma2 semaphore(%arg19 : memref<!tpu.dma_semaphore, #tpu.memory_space<semaphore_mem>>) src(%arg9 : memref<32x768xf32, #tpu.memory_space<vmem>>) dst(%dma_wait3A_312 : memref<32x768xf32, #tpu.memory_space<hbm>>)
    %dma_wait3A_313 = arith.constant 0 : i32
    %dma_wait3A_314 = tpu.memref_slice %arg4[%add3A_285, %dma_wait3A_313] : memref<16384x768xf32, #tpu.memory_space<hbm>> -> memref<32x768xf32, #tpu.memory_space<hbm>>
    %dma_wait3A_315 = arith.constant 0 : i32
    %dma_wait3A_316 = tpu.memref_slice %arg4[%add3A_285, %dma_wait3A_315] : memref<16384x768xf32, #tpu.memory_space<hbm>> -> memref<32x768xf32, #tpu.memory_space<hbm>>
    tpu.wait_dma2 semaphore(%arg20 : memref<!tpu.dma_semaphore, #tpu.memory_space<semaphore_mem>>) src(%arg10 : memref<32x768xf32, #tpu.memory_space<vmem>>) dst(%dma_wait3A_316 : memref<32x768xf32, #tpu.memory_space<hbm>>)
    %dma_wait3A_317 = arith.constant 0 : i32
    %dma_wait3A_318 = tpu.memref_slice %arg4[%add3A_296, %dma_wait3A_317] : memref<16384x768xf32, #tpu.memory_space<hbm>> -> memref<32x768xf32, #tpu.memory_space<hbm>>
    %dma_wait3A_319 = arith.constant 0 : i32
    %dma_wait3A_320 = tpu.memref_slice %arg4[%add3A_296, %dma_wait3A_319] : memref<16384x768xf32, #tpu.memory_space<hbm>> -> memref<32x768xf32, #tpu.memory_space<hbm>>
    tpu.wait_dma2 semaphore(%arg16 : memref<!tpu.dma_semaphore, #tpu.memory_space<semaphore_mem>>) src(%arg6 : memref<32x768xf32, #tpu.memory_space<vmem>>) dst(%dma_wait3A_320 : memref<32x768xf32, #tpu.memory_space<hbm>>)
    return
  }
}

</mosaic_0001>

<sc_bundles>
// kernel: kernel.3.cloned.1.call-start
scs
__scs_entry_jumppad:
0x0: {  	(pc) =	sbr.rel $0x88, $3  }
0x1: {  	(tag) =	ssettag $0x0;
	lr =	simm.s32 $0x1  }
0x2: {  	[smem:$0x3FA0] =	sst lr;
	_ =	strace $0xD0000000  }
0x3: {  	_ = 	snop  }
0x4: {  	_ = 	snop  }
0x5: {  	_ = 	snop  }
0x6: {  	_ = 	snop  }
0x7: {  	_ = 	snop  }
__scs_overlays_trampoline_lowered:
0x8: {  	[smem:$0x3FAF] =	sst s0  }
0x9: {  	[smem:$0x3FB0] =	sst s1  }
0xa: {  	[smem:$0x3FB1] =	sst s2  }
0xb: {  	[smem:$0x3FB2] =	sst s3  }
0xc: {  	[smem:$0x3FB3] =	sst s4  }
0xd: {  	[smem:$0x3FB4] =	sst s5  }
0xe: {  	[smem:$0x3FB5] =	sst s6  }
0xf: {  	[smem:$0x3FB6] =	sst s7  }
0x10: {  	[smem:$0x3FB7] =	sst s8  }
0x11: {  	[smem:$0x3FB8] =	sst s9;
	s0 =	simm.s32 @!p0 $0x0  }
0x12: {  	s1 =	sld [smem:$0x3F9E];
	s0 =	simm.s32 @p0 $0x1  }
0x13: {  	[smem:$0x3FB9] =	sst s0;
	s0 =	simm.s32 @!p1 $0x0  }
0x14: {  	s2 =	sld [smem:$0x3F9D];
	s0 =	simm.s32 @p1 $0x1  }
0x15: {  	[smem:$0x3FBA] =	sst s0;
	s0 =	simm.s32 @!p2 $0x0  }
0x16: {  	s3 =	sld [smem:$0x3FDB];
	s0 =	simm.s32 @p2 $0x1  }
0x17: {  	s4 =	simm.s32 $0x1BF5;
	[smem:$0x3FBC] =	sst s0  }
0x18: {  	s0 =	sld [smem:$0x3F9F];
	_ =	swait.ge [sflag:s4], $0x0  }
0x19: {  	s7 =	sld [smem:$0x3FA0]  }
0x1a: {  	s8 =	sadd.s32 $0xFFFFE003, lr  }
0x1b: {  	s9 =	sadd.s32 $0xFFFFFEF7, lr;
	s5 =	simm.s32 $0xFFFFFFFF;
	p2 =	slt.u32 s8, $0xFFFFF086  }
0x1c: {  	p1 =	slt.u32 s9, $0xF7A;
	s5 =	simm.s32 @!p2 $0x0  }
0x1d: {  	s5 =	simm.s32 @p1 $0x1;
	p0 =	seq.s32 s7, s2  }
0x1e: {  	s7 =	smul.u32 @!p0 $0xF7A, s2;
	p2 =	seq.s32 @!p0 s5, $0x0  }
0x1f: {  	s9 =	smul.u32 $0xF7A, s1;
	s8 =	simm.s32 @!p0 $0x1BF5;
	p2 =	por !p2, p0  }
0x20: {  	[sflag:s8] =	ssyncset.s32 @!p0 $0xFFFFF086;
	s6 =	sadd.s32 @!p0 s3, s7;
	s7 =	simm.s32 @!p0 $0x108  }
0x21: {  	s3 =	sadd.s32 s3, s9;
	s6 =	sadd.s32 @!p0 $0x88, s6;
	s7 =	simm.s32 @p2 $0x1082  }
0x22: {  	[simem:s7], [sflag:s8] =	dma.local @!p0 [hbm:s6], $0xF7A  }
0x23: {  	s9 =	sor.u32 $0xD0000000, s2;
	s6 =	simm.s32 $0x108;
	_ =	swait.ge @!p0 [sflag:s8], $0x0  }
0x24: {  	s3 =	sadd.s32 $0x88, s3;
	s6 =	simm.s32 @!p1 $0x1082;
	[sflag:s4] =	ssyncset.s32 $0xFFFFF086  }
0x25: {  	[simem:s6], [sflag:s4] =	dma.local [hbm:s3], $0xF7A  }
0x26: {  	[smem:$0x3FA0] =	sst s1;
	(tag) =	ssettag s2;
	_ =	strace s9  }
0x27: {  	s1 =	sld [smem:$0x3FB0]  }
0x28: {  	s2 =	sld [smem:$0x3FB1]  }
0x29: {  	s4 =	sld [smem:$0x3FB3]  }
0x2a: {  	p0 =	seq.s32 s5, $0x0;
	s5 =	sld [smem:$0x3FB4]  }
0x2b: {  	s6 =	sld [smem:$0x3FB5]  }
0x2c: {  	s7 =	sld [smem:$0x3FB6]  }
0x2d: {  	s3 =	simm.s32 $0x108;
	s8 =	sld [smem:$0x3FB7]  }
0x2e: {  	s3 =	simm.s32 @!p0 $0x1082;
	s9 =	sld [smem:$0x3FB8]  }
0x2f: {  	lr =	sadd.s32 s0, s3;
	s0 =	sld [smem:$0x3FAF]  }
0x30: {  	s3 =	sld [smem:$0x3FB2]  }
0x31: {  	[smem:$0x3FBB] =	sst s10  }
0x32: {  	s10 =	sld [smem:$0x3FB9];
	_ =	sdelay $0x3  }
0x33: {  	p0 =	seq.s32 s10, $0x1;
	s10 =	sld [smem:$0x3FBB];
	_ =	sdelay $0x3  }
0x34: {  	[smem:$0x3FBB] =	sst s10  }
0x35: {  	s10 =	sld [smem:$0x3FBA];
	_ =	sdelay $0x3  }
0x36: {  	p1 =	seq.s32 s10, $0x1;
	s10 =	sld [smem:$0x3FBB];
	_ =	sdelay $0x3  }
0x37: {  	[smem:$0x3FBB] =	sst s10  }
0x38: {  	s10 =	sld [smem:$0x3FBC]  }
0x39: {  	_ = 	snop;
	(pc) =	sbr.ind lr, $3  }
0x3a: {  	_ = 	snop  }
0x3b: {  	_ = 	snop  }
0x3c: {  	p2 =	seq.s32 s10, $0x1;
	s10 =	sld [smem:$0x3FBB]  }
0x3d: {  	_ =	shalt  }
0x3e: {  	_ =	shalt  }
0x3f: {  	_ =	shalt  }
0x40: {  	_ =	shalt  }
0x41: {  	_ =	shalt  }
0x42: {  	_ =	shalt  }
0x43: {  	_ =	shalt  }
0x44: {  	_ =	shalt  }
0x45: {  	_ =	shalt  }
0x46: {  	_ =	shalt  }
0x47: {  	_ =	shalt  }
0x48: {  	_ =	shalt  }
0x49: {  	_ =	shalt  }
0x4a: {  	_ =	shalt  }
0x4b: {  	_ =	shalt  }
0x4c: {  	_ =	shalt  }
0x4d: {  	_ =	shalt  }
0x4e: {  	_ =	shalt  }
0x4f: {  	_ =	shalt  }
0x50: {  	_ =	shalt  }
0x51: {  	_ =	shalt  }
0x52: {  	_ =	shalt  }
0x53: {  	_ =	shalt  }
0x54: {  	_ =	shalt  }
0x55: {  	_ =	shalt  }
0x56: {  	_ =	shalt  }
0x57: {  	_ =	shalt  }
0x58: {  	_ =	shalt  }
0x59: {  	_ =	shalt  }
0x5a: {  	_ =	shalt  }
0x5b: {  	_ =	shalt  }
0x5c: {  	_ =	shalt  }
0x5d: {  	_ =	shalt  }
0x5e: {  	_ =	shalt  }
0x5f: {  	_ =	shalt  }
0x60: {  	_ =	shalt  }
0x61: {  	_ =	shalt  }
0x62: {  	_ =	shalt  }
0x63: {  	_ =	shalt  }
0x64: {  	_ =	shalt  }
0x65: {  	_ =	shalt  }
0x66: {  	_ =	shalt  }
0x67: {  	_ =	shalt  }
0x68: {  	_ =	shalt  }
0x69: {  	_ =	shalt  }
0x6a: {  	_ =	shalt  }
0x6b: {  	_ =	shalt  }
0x6c: {  	_ =	shalt  }
0x6d: {  	_ =	shalt  }
0x6e: {  	_ =	shalt  }
0x6f: {  	_ =	shalt  }
0x70: {  	_ =	shalt  }
0x71: {  	_ =	shalt  }
0x72: {  	_ =	shalt  }
0x73: {  	_ =	shalt  }
0x74: {  	_ =	shalt  }
0x75: {  	_ =	shalt  }
0x76: {  	_ =	shalt  }
0x77: {  	_ =	shalt  }
0x78: {  	_ =	shalt  }
0x79: {  	_ =	shalt  }
0x7a: {  	_ =	shalt  }
0x7b: {  	_ =	shalt  }
0x7c: {  	_ =	shalt  }
0x7d: {  	_ =	shalt  }
0x7e: {  	_ =	shalt  }
0x7f: {  	_ =	shalt  }
0x80: {  	_ =	shalt  }
0x81: {  	_ =	shalt  }
0x82: {  	_ =	shalt  }
0x83: {  	_ =	shalt  }
0x84: {  	_ =	shalt  }
0x85: {  	_ =	shalt  }
0x86: {  	_ =	shalt  }
0x87: {  	_ =	shalt  }
.Lfunc_end0:
.L_simem_size_0:
called_computation_lowered:
.L_overlay_start_0:
0x88: {  	s2 =	sld [smem:$0x3FD9]  }
0x89: {  	s3 =	sld [smem:$0x3FFE];
	_ =	sdelay $0x1  }
0x8a: {  	s1 =	srdreg.scid  }
0x8b: {  	s0 =	sand.u32 $0x1, s1  }
0x8c: {  	s15 =	sshll.u32 s0, $0xA;
	s2 =	sadd.s32 s3, s2  }
0x8d: {  	s2 =	sadd.s32 s2, s15  }
0x8e: {  	[smem:$0x3FC7] =	sst s2  }
0x8f: {  	_ = 	snop  }
0x90: {  	s2 =	sld [smem:$0x3FD0];
	_ =	sdelay $0x2  }
0x91: {  	s4 =	simm.s32 $0xA;
	s5 =	simm.s32 $0x10;
	s16 =	sld [smem:$0x3FC9]  }
0x92: {  	[smem:s5], [sflag:s4] =	dma.local [hbm:s2], $0x1  }
0x93: {  	_ =	swait.eq [sflag:s4], $0x1  }
0x94: {  	[sflag:s4] =	ssyncset.done $0x0  }
0x95: {  	s17 =	sld [smem:$0x10];
	[sflag:s4] =	ssyncadd.s32 $0xFFFFFFFF  }
0x96: {  	s18 =	sld [smem:$0x12];
	(tm) =	ssettm $0x1  }
0x97: {  	s19 =	sld [smem:$0x3FFB];
	_ =	sdelay $0x3  }
0x98: {  	_ =	strace s19  }
0x99: {  	s5 =	sld [smem:$0x3FFC];
	_ =	sdelay $0x3  }
0x9a: {  	_ =	strace s5  }
0x9b: {  	s5 =	sld [smem:$0x3FFD];
	_ =	sdelay $0x3  }
0x9c: {  	_ =	strace s5  }
0x9d: {  	_ =	strace $0x8FFFFFFF  }
0x9e: {  	s20 =	sld [smem:$0x3FDB];
	_ =	sdelay $0x1  }
0x9f: {  	s6 =	simm.s32 $_scs_section_size  }
0xa0: {  	s7 =	simm.s32 $_size__tile_overlayer_lowered;
	s8 =	simm.s32 $_tile_overlayer_lowered  }
0xa1: {  	s23 =	simm.s32 $0x1BFF;
	s22 =	sshll.u32 s8, $0x1;
	s5 =	sadd.s32 s6, s20  }
0xa2: {  	s9 =	simm.s32 $0x0;
	s21 =	sshll.u32 s7, $0x1;
	s7 =	sadd.s32 s22, s5  }
0xa3: {  	[timem:s9], [sflag:s23] =	dma.local [hbm:s7], s21  }
0xa4: {  	_ =	swait.ge [sflag:s23], s21  }
0xa5: {  	s6 =	ssub.s32 $0x0, s21;
	[sflag:s23] =	ssyncset.done $0x0  }
0xa6: {  	[sflag:s23] =	ssyncadd.s32 s6;
	_ =	sdelay $0x1  }
0xa7: {  	s24 =	simm.s32 $0x1B8B  }
0xa8: {  	_ =	swait.ge [sflag:s24], $0x1  }
0xa9: {  	[sflag:s24] =	ssyncset.done $0x0  }
0xaa: {  	s25 =	simm.s32 $0x1B8E;
	[sflag:s24] =	ssyncadd.s32 $0xFFFFFFFF  }
0xab: {  	s26 =	simm.s32 $execute0_lowered;
	[smem:$0x3FD2] =	sst s25  }
0xac: {  	s6 =	sshll.u32 s26, $0x1;
	_ =	strace $0x80000046;
	[dreg:$0x1] =	wrdreg $0xFFFFFFFF  }
0xad: {  	s28 =	simm.s32 $_size_execute0_lowered;
	s5 =	sadd.s32 s5, s6;
	[dreg:$0x0] =	wrdreg $0x0  }
0xae: {  	s6 =	sshll.u32 s28, $0x1;
	[dreg:$0x2] =	wrdreg s5  }
0xaf: {  	[dreg:$0x3] =	wrdreg s6  }
0xb0: {  	[dreg:$0x4] =	wrdreg $0xC0  }
0xb1: {  	_ =	task [dreg:s9], $0x5FFFF  }
0xb2: {  	[dreg:$0x1] =	wrdreg $0xFFFFFFFF  }
0xb3: {  	[dreg:$0x0] =	wrdreg $0x60  }
0xb4: {  	[dreg:$0x2] =	wrdreg s16  }
0xb5: {  	[dreg:$0x3] =	wrdreg s18  }
0xb6: {  	[dreg:$0x4] =	wrdreg s17  }
0xb7: {  	[dreg:$0x5] =	wrdreg $0x9  }
0xb8: {  	_ =	task.clear_ibuf [dreg:s9], $0x6FFFF;
	_ =	strace $0x90000046  }
0xb9: {  	s29 =	simm.s32 $0x9;
	_ =	strace $0x80000048  }
0xba: {  	_ =	swait.ge [sflag:s29], $0x1  }
0xbb: {  	[sflag:s29] =	ssyncadd.s32 $0xFFFFFFFF  }
0xbc: {  	_ =	strace $0x90000048  }
0xbd: {  	_ =	sfence  }
0xbe: {  	s30 =	sld [smem:$0x0];
	_ =	sdelay $0x2  }
0xbf: {  	s31 =	sshll.u32 s1, $0xD;
	s1 =	sshrl.u32 s1, $0x2  }
0xc0: {  	s3 =	sand.u32 $0x4000, s31;
	s1 =	sadd.s32 s1, s30  }
0xc1: {  	s0 =	sor.u32 s3, s0;
	s1 =	sshll.u32 s1, $0x11  }
0xc2: {  	s0 =	sor.u32 s1, s0  }
0xc3: {  	s0 =	sadd.s32 $0x8F2B, s0  }
0xc4: {  	[sflag:s0] =	ssyncadd.remote.s32 $0x1  }
0xc5: {  	_ =	sfence.sel $0xFFFF  }
0xc6: {  	[dreg:$0x0] =	wrdreg $0xFFFFFFFF;
	(pc) =	sbr.abs _section_cstart, $3  }
0xc7: {  	[dreg:$0x1] =	wrdreg $0xFFFFFFFF  }
0xc8: {  	_ =	task.clear_ibuf [dreg:s9], $0x2FFFF;
	_ =	strace $0x9FFFFFFF  }
0xc9: {  	(tm) =	ssettm $0x7FFFFFFF  }
tec
execute0_lowered:
.L_overlay_start_1:
0x0: {  	(tag) =	ssettag $0x1  }
0x1: {  	s0 =	srdreg.scid  }
0x2: {  	s3 =	stileid.u32;
	s0 =	sand.u32 $0x1, s0  }
0x3: {  	s1 =	rddreg [dreg:$0x0];
	s3 =	sshll.u32 s3, $0x7;
	s4 =	sshll.u32 s0, $0x6  }
0x4: {  	s2 =	rddreg [dreg:$0x1];
	s4 =	sor.u32 s4, s3  }
0x5: {  	s5 =	rddreg [dreg:$0x2];
	s3 =	simm.s32 $0x0;
	s6 =	smul.u32 $0x300, s4  }
0x6: {  	[smem:$0x7FF] =	sst s3;
	s2 =	sadd.s32 s2, s4  }
0x7: {  	_ =	strace $0x80000047;
	[dreg:$0x4] =	wrdreg s2;
	s6 =	sadd.s32 s5, s6  }
0x8: {  	s11 =	sadd.s32 $0xC00, s6;
	[dreg:$0x14] =	wrdreg s6  }
0x9: {  	s4 =	smul.u32 $0x1800, s4;
	s12 =	sadd.s32 $0x1800, s6;
	[dreg:$0x5] =	wrdreg s11  }
0xa: {  	s8 =	simm.s32 $0x1;
	s13 =	sadd.s32 $0x2400, s6;
	[dreg:$0x6] =	wrdreg s12  }
0xb: {  	s4 =	sshrl.u32 s4, $0x3;
	s14 =	sadd.s32 $0x3000, s6;
	[dreg:$0x7] =	wrdreg s13  }
0xc: {  	s15 =	sadd.s32 $0x3C00, s6;
	s4 =	sadd.s32 s5, s4;
	[dreg:$0x8] =	wrdreg s14  }
0xd: {  	s28 =	simm.s32 $0x3;
	[dreg:$0x9] =	wrdreg s15;
	s16 =	sadd.s32 $0x4800, s4  }
0xe: {  	s29 =	simm.s32 $0x7;
	s17 =	sadd.s32 $0x5400, s4;
	[dreg:$0xa] =	wrdreg s16  }
0xf: {  	s30 =	simm.s32 $0x4;
	s18 =	sadd.s32 $0x6000, s4;
	[dreg:$0xb] =	wrdreg s17  }
0x10: {  	s31 =	simm.s32 $0x8;
	s19 =	sadd.s32 $0x6C00, s4;
	[dreg:$0xc] =	wrdreg s18  }
0x11: {  	s0 =	ssub.s32 $0x2, s0;
	s20 =	sadd.s32 $0x7800, s4;
	[dreg:$0xd] =	wrdreg s19  }
0x12: {  	s24 =	sshrl.u32 s0, $0x1;
	s21 =	sadd.s32 $0x8400, s4;
	[dreg:$0xe] =	wrdreg s20  }
0x13: {  	s0 =	ssub.s32 s0, s24;
	s22 =	sadd.s32 $0x9000, s4;
	[dreg:$0xf] =	wrdreg s21  }
0x14: {  	s24 =	simm.s32 $0xA;
	s23 =	sadd.s32 $0x9C00, s4;
	[dreg:$0x10] =	wrdreg s22  }
0x15: {  	s7 =	smax.u32 s0, $0x1;
	s25 =	sadd.s32 $0xA800, s4;
	[dreg:$0x11] =	wrdreg s23  }
0x16: {  	s2 =	simm.s32 $0x5;
	s26 =	sadd.s32 $0xB400, s4;
	[dreg:$0x12] =	wrdreg s25  }
0x17: {  	v2 =	vlaneseq.u32;
	s5 =	sadd.s32 $0x100, s1;
	s6 =	sadd.s32 $0x200, s1;
	[dreg:$0x13] =	wrdreg s26  }
0x18: {  	vm0 =	vmmov $0xffff;
	v1 =	vshrl.u32 v2, $0x3;
	s19 =	simm.s32 $0x200;
	s25 =	simm.s32 $0x2;
	s26 =	simm.s32 $0x6  }
0x19: {  	v0 =	vand.u32 $0x7, v2;
	v2 =	vor.u32 $0x8, v2;
	v1 =	vmul.u32 $0x8, v1;
	s23 =	simm.s32 $0x9;
	s22 =	simm.s32 $0x6A00;
	s21 =	simm.s32 $0xC200  }
.LBB2_1:
0x1a: {  	s10 =	rddreg [dreg:$0x4];
	s4 =	simm.s32 $0xB  }
0x1b: {  	[tilespmem:s3], [sflag:$0xB] =	stream.linear.gather [hbm4b:s10+s3], $0x200, $0x38;
	[tilespmem:$0x1E200] =	vst v63  }
0x1c: {  	_ =	swait.ge [sflag:s4], $0x200  }
0x1d: {  	[sflag:s4] =	ssyncset.done $0x0  }
0x1e: {  	[sflag:s4] =	ssyncadd.s32 $0xFFFFFE00  }
0x1f: {  	v3 =	vld [tilespmem:$0x0];
	_ =	sdelay $0x4  }
0x20: {  	v4 =	vshrl.u32 v3, $0x3  }
0x21: {  	v4 =	vmul.u32 $0x30, v4  }
0x22: {  	v3 =	vand.u32 $0x7, v3  }
0x23: {  	v3 =	vor.u32 v3, v4  }
0x24: {  	v4 =	vperm.xlane v3, v0;
	_ =	sdelay $0x1  }
0x25: {  	v4 =	vadd.s32 v1, v4;
	_ =	sdelay $0x3  }
0x26: {  	v3 =	vperm.xlane v3, v2  }
0x27: {  	[tilespmem:s19], [sflag:$0x1] =	stream.indirect_vreg.gather [hbm4b:s1+s3], $0x80, v4, vm0, $0xb8;
	[tilespmem:$0x1E200] =	vst v63  }
0x28: {  	s0 =	simm.s32 $0xA00;
	v3 =	vadd.s32 v1, v3  }
0x29: {  	[tilespmem:s0], [sflag:$0x1] =	stream.indirect_vreg.gather [hbm4b:s5+s3], $0x80, v4, vm0, $0xb8;
	[tilespmem:$0x1E200] =	vst v63  }
0x2a: {  	s9 =	simm.s32 $0x1200  }
0x2b: {  	[tilespmem:s9], [sflag:$0x1] =	stream.indirect_vreg.gather [hbm4b:s6+s3], $0x80, v4, vm0, $0xb8;
	[tilespmem:$0x1E200] =	vst v63  }
0x2c: {  	s10 =	simm.s32 $0x1A00  }
0x2d: {  	[tilespmem:s10], [sflag:$0x1] =	stream.indirect_vreg.gather [hbm4b:s1+s3], $0x80, v3, vm0, $0xb8;
	[tilespmem:$0x1E200] =	vst v63  }
0x2e: {  	s11 =	simm.s32 $0x2200  }
0x2f: {  	[tilespmem:s11], [sflag:$0x1] =	stream.indirect_vreg.gather [hbm4b:s5+s3], $0x80, v3, vm0, $0xb8;
	[tilespmem:$0x1E200] =	vst v63  }
0x30: {  	s12 =	simm.s32 $0x2A00  }
0x31: {  	[tilespmem:s12], [sflag:$0x1] =	stream.indirect_vreg.gather [hbm4b:s6+s3], $0x80, v3, vm0, $0xb8;
	[tilespmem:$0x1E200] =	vst v63  }
0x32: {  	v3 =	vld [tilespmem:$0x10];
	_ =	sdelay $0x4  }
0x33: {  	v33 =	vshrl.u32 v3, $0x3  }
0x34: {  	v4 =	vmul.u32 $0x30, v33  }
0x35: {  	v3 =	vand.u32 $0x7, v3  }
0x36: {  	v3 =	vor.u32 v3, v4  }
0x37: {  	v4 =	vperm.xlane v3, v0;
	_ =	sdelay $0x1  }
0x38: {  	v4 =	vadd.s32 v1, v4;
	_ =	sdelay $0x3  }
0x39: {  	s13 =	simm.s32 $0x3200;
	v3 =	vperm.xlane v3, v2  }
0x3a: {  	[tilespmem:s13], [sflag:$0x1] =	stream.indirect_vreg.gather [hbm4b:s1+s3], $0x80, v4, vm0, $0xb8;
	[tilespmem:$0x1E200] =	vst v63  }
0x3b: {  	s14 =	simm.s32 $0x3A00;
	v3 =	vadd.s32 v1, v3  }
0x3c: {  	[tilespmem:s14], [sflag:$0x1] =	stream.indirect_vreg.gather [hbm4b:s5+s3], $0x80, v4, vm0, $0xb8;
	[tilespmem:$0x1E200] =	vst v63  }
0x3d: {  	s17 =	simm.s32 $0x4200  }
0x3e: {  	[tilespmem:s17], [sflag:$0x1] =	stream.indirect_vreg.gather [hbm4b:s6+s3], $0x80, v4, vm0, $0xb8;
	[tilespmem:$0x1E200] =	vst v63  }
0x3f: {  	s18 =	simm.s32 $0x4A00  }
0x40: {  	[tilespmem:s18], [sflag:$0x1] =	stream.indirect_vreg.gather [hbm4b:s1+s3], $0x80, v3, vm0, $0xb8;
	[tilespmem:$0x1E200] =	vst v63  }
0x41: {  	s20 =	simm.s32 $0x5200  }
0x42: {  	[tilespmem:s20], [sflag:$0x1] =	stream.indirect_vreg.gather [hbm4b:s5+s3], $0x80, v3, vm0, $0xb8;
	[tilespmem:$0x1E200] =	vst v63  }
0x43: {  	s4 =	simm.s32 $0x5A00  }
0x44: {  	[tilespmem:s4], [sflag:$0x1] =	stream.indirect_vreg.gather [hbm4b:s6+s3], $0x80, v3, vm0, $0xb8;
	[tilespmem:$0x1E200] =	vst v63  }
0x45: {  	v3 =	vld [tilespmem:$0x20];
	_ =	sdelay $0x4  }
0x46: {  	v34 =	vshrl.u32 v3, $0x3  }
0x47: {  	v4 =	vmul.u32 $0x30, v34  }
0x48: {  	v3 =	vand.u32 $0x7, v3  }
0x49: {  	v3 =	vor.u32 v3, v4  }
0x4a: {  	v4 =	vperm.xlane v3, v0;
	_ =	sdelay $0x1  }
0x4b: {  	v4 =	vadd.s32 v1, v4;
	_ =	sdelay $0x3  }
0x4c: {  	s4 =	simm.s32 $0x6200;
	v3 =	vperm.xlane v3, v2  }
0x4d: {  	[tilespmem:s4], [sflag:$0x2] =	stream.indirect_vreg.gather [hbm4b:s1+s3], $0x80, v4, vm0, $0xb8;
	[tilespmem:$0x1E200] =	vst v63  }
0x4e: {  	v3 =	vadd.s32 v1, v3  }
0x4f: {  	[tilespmem:s22], [sflag:$0x2] =	stream.indirect_vreg.gather [hbm4b:s5+s3], $0x80, v4, vm0, $0xb8;
	[tilespmem:$0x1E200] =	vst v63  }
0x50: {  	s9 =	simm.s32 $0x7200  }
0x51: {  	[tilespmem:s9], [sflag:$0x2] =	stream.indirect_vreg.gather [hbm4b:s6+s3], $0x80, v4, vm0, $0xb8;
	[tilespmem:$0x1E200] =	vst v63  }
0x52: {  	s10 =	simm.s32 $0x7A00  }
0x53: {  	[tilespmem:s10], [sflag:$0x2] =	stream.indirect_vreg.gather [hbm4b:s1+s3], $0x80, v3, vm0, $0xb8;
	[tilespmem:$0x1E200] =	vst v63  }
0x54: {  	s11 =	simm.s32 $0x8200  }
0x55: {  	[tilespmem:s11], [sflag:$0x2] =	stream.indirect_vreg.gather [hbm4b:s5+s3], $0x80, v3, vm0, $0xb8;
	[tilespmem:$0x1E200] =	vst v63  }
0x56: {  	s12 =	simm.s32 $0x8A00  }
0x57: {  	[tilespmem:s12], [sflag:$0x2] =	stream.indirect_vreg.gather [hbm4b:s6+s3], $0x80, v3, vm0, $0xb8;
	[tilespmem:$0x1E200] =	vst v63  }
0x58: {  	v3 =	vld [tilespmem:$0x30];
	_ =	sdelay $0x4  }
0x59: {  	v35 =	vshrl.u32 v3, $0x3  }
0x5a: {  	v4 =	vmul.u32 $0x30, v35  }
0x5b: {  	v3 =	vand.u32 $0x7, v3  }
0x5c: {  	v3 =	vor.u32 v3, v4  }
0x5d: {  	v4 =	vperm.xlane v3, v0;
	_ =	sdelay $0x1  }
0x5e: {  	v4 =	vadd.s32 v1, v4;
	_ =	sdelay $0x3  }
0x5f: {  	s13 =	simm.s32 $0x9200;
	v3 =	vperm.xlane v3, v2  }
0x60: {  	[tilespmem:s13], [sflag:$0x2] =	stream.indirect_vreg.gather [hbm4b:s1+s3], $0x80, v4, vm0, $0xb8;
	[tilespmem:$0x1E200] =	vst v63  }
0x61: {  	s14 =	simm.s32 $0x9A00;
	v3 =	vadd.s32 v1, v3  }
0x62: {  	[tilespmem:s14], [sflag:$0x2] =	stream.indirect_vreg.gather [hbm4b:s5+s3], $0x80, v4, vm0, $0xb8;
	[tilespmem:$0x1E200] =	vst v63  }
0x63: {  	s17 =	simm.s32 $0xA200  }
0x64: {  	[tilespmem:s17], [sflag:$0x2] =	stream.indirect_vreg.gather [hbm4b:s6+s3], $0x80, v4, vm0, $0xb8;
	[tilespmem:$0x1E200] =	vst v63  }
0x65: {  	s18 =	simm.s32 $0xAA00  }
0x66: {  	[tilespmem:s18], [sflag:$0x2] =	stream.indirect_vreg.gather [hbm4b:s1+s3], $0x80, v3, vm0, $0xb8;
	[tilespmem:$0x1E200] =	vst v63  }
0x67: {  	s9 =	simm.s32 $0xB200  }
0x68: {  	[tilespmem:s9], [sflag:$0x2] =	stream.indirect_vreg.gather [hbm4b:s5+s3], $0x80, v3, vm0, $0xb8;
	[tilespmem:$0x1E200] =	vst v63  }
0x69: {  	s10 =	simm.s32 $0xBA00  }
0x6a: {  	[tilespmem:s10], [sflag:$0x2] =	stream.indirect_vreg.gather [hbm4b:s6+s3], $0x80, v3, vm0, $0xb8;
	[tilespmem:$0x1E200] =	vst v63  }
0x6b: {  	v3 =	vld [tilespmem:$0x40];
	_ =	sdelay $0x4  }
0x6c: {  	v36 =	vshrl.u32 v3, $0x3  }
0x6d: {  	v4 =	vmul.u32 $0x30, v36  }
0x6e: {  	v3 =	vand.u32 $0x7, v3  }
0x6f: {  	v3 =	vor.u32 v3, v4  }
0x70: {  	v4 =	vperm.xlane v3, v0;
	_ =	sdelay $0x1  }
0x71: {  	v4 =	vadd.s32 v1, v4;
	_ =	sdelay $0x3  }
0x72: {  	v3 =	vperm.xlane v3, v2  }
0x73: {  	[tilespmem:s21], [sflag:$0x3] =	stream.indirect_vreg.gather [hbm4b:s1+s3], $0x80, v4, vm0, $0xb8;
	[tilespmem:$0x1E200] =	vst v63  }
0x74: {  	s11 =	simm.s32 $0xCA00;
	v3 =	vadd.s32 v1, v3  }
0x75: {  	[tilespmem:s11], [sflag:$0x3] =	stream.indirect_vreg.gather [hbm4b:s5+s3], $0x80, v4, vm0, $0xb8;
	[tilespmem:$0x1E200] =	vst v63  }
0x76: {  	s12 =	simm.s32 $0xD200  }
0x77: {  	[tilespmem:s12], [sflag:$0x3] =	stream.indirect_vreg.gather [hbm4b:s6+s3], $0x80, v4, vm0, $0xb8;
	[tilespmem:$0x1E200] =	vst v63  }
0x78: {  	s13 =	simm.s32 $0xDA00  }
0x79: {  	[tilespmem:s13], [sflag:$0x3] =	stream.indirect_vreg.gather [hbm4b:s1+s3], $0x80, v3, vm0, $0xb8;
	[tilespmem:$0x1E200] =	vst v63  }
0x7a: {  	s14 =	simm.s32 $0xE200  }
0x7b: {  	[tilespmem:s14], [sflag:$0x3] =	stream.indirect_vreg.gather [hbm4b:s5+s3], $0x80, v3, vm0, $0xb8;
	[tilespmem:$0x1E200] =	vst v63  }
0x7c: {  	s17 =	simm.s32 $0xEA00  }
0x7d: {  	[tilespmem:s17], [sflag:$0x3] =	stream.indirect_vreg.gather [hbm4b:s6+s3], $0x80, v3, vm0, $0xb8;
	[tilespmem:$0x1E200] =	vst v63  }
0x7e: {  	v3 =	vld [tilespmem:$0x50];
	_ =	sdelay $0x4  }
0x7f: {  	v37 =	vshrl.u32 v3, $0x3  }
0x80: {  	v4 =	vmul.u32 $0x30, v37  }
0x81: {  	v3 =	vand.u32 $0x7, v3  }
0x82: {  	v3 =	vor.u32 v3, v4  }
0x83: {  	v4 =	vperm.xlane v3, v0;
	_ =	sdelay $0x1  }
0x84: {  	v4 =	vadd.s32 v1, v4;
	_ =	sdelay $0x3  }
0x85: {  	s18 =	simm.s32 $0xF200;
	v3 =	vperm.xlane v3, v2  }
0x86: {  	[tilespmem:s18], [sflag:$0x3] =	stream.indirect_vreg.gather [hbm4b:s1+s3], $0x80, v4, vm0, $0xb8;
	[tilespmem:$0x1E200] =	vst v63  }
0x87: {  	s9 =	simm.s32 $0xFA00;
	v3 =	vadd.s32 v1, v3  }
0x88: {  	[tilespmem:s9], [sflag:$0x3] =	stream.indirect_vreg.gather [hbm4b:s5+s3], $0x80, v4, vm0, $0xb8;
	[tilespmem:$0x1E200] =	vst v63  }
0x89: {  	s10 =	simm.s32 $0x10200  }
0x8a: {  	[tilespmem:s10], [sflag:$0x3] =	stream.indirect_vreg.gather [hbm4b:s6+s3], $0x80, v4, vm0, $0xb8;
	[tilespmem:$0x1E200] =	vst v63  }
0x8b: {  	s11 =	simm.s32 $0x10A00  }
0x8c: {  	[tilespmem:s11], [sflag:$0x3] =	stream.indirect_vreg.gather [hbm4b:s1+s3], $0x80, v3, vm0, $0xb8;
	[tilespmem:$0x1E200] =	vst v63  }
0x8d: {  	s12 =	simm.s32 $0x11200  }
0x8e: {  	[tilespmem:s12], [sflag:$0x3] =	stream.indirect_vreg.gather [hbm4b:s5+s3], $0x80, v3, vm0, $0xb8;
	[tilespmem:$0x1E200] =	vst v63  }
0x8f: {  	s13 =	simm.s32 $0x11A00  }
0x90: {  	[tilespmem:s13], [sflag:$0x3] =	stream.indirect_vreg.gather [hbm4b:s6+s3], $0x80, v3, vm0, $0xb8;
	[tilespmem:$0x1E200] =	vst v63  }
0x91: {  	v3 =	vld [tilespmem:$0x60];
	_ =	sdelay $0x4  }
0x92: {  	v38 =	vshrl.u32 v3, $0x3  }
0x93: {  	v4 =	vmul.u32 $0x30, v38  }
0x94: {  	v3 =	vand.u32 $0x7, v3  }
0x95: {  	v3 =	vor.u32 v3, v4  }
0x96: {  	v4 =	vperm.xlane v3, v0;
	_ =	sdelay $0x1  }
0x97: {  	v4 =	vadd.s32 v1, v4;
	_ =	sdelay $0x3  }
0x98: {  	s0 =	simm.s32 $0x12200;
	v3 =	vperm.xlane v3, v2  }
0x99: {  	[tilespmem:s0], [sflag:$0x4] =	stream.indirect_vreg.gather [hbm4b:s1+s3], $0x80, v4, vm0, $0xb8;
	[tilespmem:$0x1E200] =	vst v63  }
0x9a: {  	s9 =	simm.s32 $0x12A00;
	v3 =	vadd.s32 v1, v3  }
0x9b: {  	[tilespmem:s9], [sflag:$0x4] =	stream.indirect_vreg.gather [hbm4b:s5+s3], $0x80, v4, vm0, $0xb8;
	[tilespmem:$0x1E200] =	vst v63  }
0x9c: {  	s14 =	simm.s32 $0x13200  }
0x9d: {  	[tilespmem:s14], [sflag:$0x4] =	stream.indirect_vreg.gather [hbm4b:s6+s3], $0x80, v4, vm0, $0xb8;
	[tilespmem:$0x1E200] =	vst v63  }
0x9e: {  	s17 =	simm.s32 $0x13A00  }
0x9f: {  	[tilespmem:s17], [sflag:$0x4] =	stream.indirect_vreg.gather [hbm4b:s1+s3], $0x80, v3, vm0, $0xb8;
	[tilespmem:$0x1E200] =	vst v63  }
0xa0: {  	s18 =	simm.s32 $0x14200  }
0xa1: {  	[tilespmem:s18], [sflag:$0x4] =	stream.indirect_vreg.gather [hbm4b:s5+s3], $0x80, v3, vm0, $0xb8;
	[tilespmem:$0x1E200] =	vst v63  }
0xa2: {  	s10 =	simm.s32 $0x14A00  }
0xa3: {  	[tilespmem:s10], [sflag:$0x4] =	stream.indirect_vreg.gather [hbm4b:s6+s3], $0x80, v3, vm0, $0xb8;
	[tilespmem:$0x1E200] =	vst v63  }
0xa4: {  	v3 =	vld [tilespmem:$0x70];
	_ =	sdelay $0x4  }
0xa5: {  	v39 =	vshrl.u32 v3, $0x3  }
0xa6: {  	v4 =	vmul.u32 $0x30, v39  }
0xa7: {  	v3 =	vand.u32 $0x7, v3  }
0xa8: {  	v3 =	vor.u32 v3, v4  }
0xa9: {  	v4 =	vperm.xlane v3, v0;
	_ =	sdelay $0x1  }
0xaa: {  	v4 =	vadd.s32 v1, v4;
	_ =	sdelay $0x3  }
0xab: {  	s11 =	simm.s32 $0x15200;
	v3 =	vperm.xlane v3, v2  }
0xac: {  	[tilespmem:s11], [sflag:$0x4] =	stream.indirect_vreg.gather [hbm4b:s1+s3], $0x80, v4, vm0, $0xb8;
	[tilespmem:$0x1E200] =	vst v63  }
0xad: {  	s12 =	simm.s32 $0x15A00;
	v3 =	vadd.s32 v1, v3  }
0xae: {  	[tilespmem:s12], [sflag:$0x4] =	stream.indirect_vreg.gather [hbm4b:s5+s3], $0x80, v4, vm0, $0xb8;
	[tilespmem:$0x1E200] =	vst v63  }
0xaf: {  	s13 =	simm.s32 $0x16200  }
0xb0: {  	[tilespmem:s13], [sflag:$0x4] =	stream.indirect_vreg.gather [hbm4b:s6+s3], $0x80, v4, vm0, $0xb8;
	[tilespmem:$0x1E200] =	vst v63  }
0xb1: {  	s14 =	simm.s32 $0x16A00  }
0xb2: {  	[tilespmem:s14], [sflag:$0x4] =	stream.indirect_vreg.gather [hbm4b:s1+s3], $0x80, v3, vm0, $0xb8;
	[tilespmem:$0x1E200] =	vst v63  }
0xb3: {  	s17 =	simm.s32 $0x17200  }
0xb4: {  	[tilespmem:s17], [sflag:$0x4] =	stream.indirect_vreg.gather [hbm4b:s5+s3], $0x80, v3, vm0, $0xb8;
	[tilespmem:$0x1E200] =	vst v63  }
0xb5: {  	s18 =	simm.s32 $0x17A00  }
0xb6: {  	[tilespmem:s18], [sflag:$0x4] =	stream.indirect_vreg.gather [hbm4b:s6+s3], $0x80, v3, vm0, $0xb8;
	[tilespmem:$0x1E200] =	vst v63  }
0xb7: {  	_ =	swait.ge [sflag:s8], $0x6000  }
0xb8: {  	[sflag:s8] =	ssyncset.done $0x0  }
0xb9: {  	s9 =	rddreg [dreg:$0x14];
	[sflag:s8] =	ssyncadd.s32 $0xFFFFA000  }
0xba: {  	[hbm4b:s9+s3] =	stream.linear.scatter [tilespmem:s19], [sflag:$0x6], $0x6000, $0x38;
	[tilespmem:$0x1E200] =	vst v63  }
0xbb: {  	v3 =	vld [tilespmem:$0x80];
	_ =	sdelay $0x4  }
0xbc: {  	v40 =	vshrl.u32 v3, $0x3  }
0xbd: {  	v4 =	vmul.u32 $0x30, v40  }
0xbe: {  	v3 =	vand.u32 $0x7, v3  }
0xbf: {  	v3 =	vor.u32 v3, v4  }
0xc0: {  	v4 =	vperm.xlane v3, v0;
	_ =	sdelay $0x1  }
0xc1: {  	v4 =	vadd.s32 v1, v4;
	_ =	sdelay $0x3  }
0xc2: {  	s9 =	simm.s32 $0x18200;
	v3 =	vperm.xlane v3, v2  }
0xc3: {  	[tilespmem:s9], [sflag:$0x5] =	stream.indirect_vreg.gather [hbm4b:s1+s3], $0x80, v4, vm0, $0xb8;
	[tilespmem:$0x1E200] =	vst v63  }
0xc4: {  	s11 =	simm.s32 $0x18A00;
	v3 =	vadd.s32 v1, v3  }
0xc5: {  	[tilespmem:s11], [sflag:$0x5] =	stream.indirect_vreg.gather [hbm4b:s5+s3], $0x80, v4, vm0, $0xb8;
	[tilespmem:$0x1E200] =	vst v63  }
0xc6: {  	s12 =	simm.s32 $0x19200  }
0xc7: {  	[tilespmem:s12], [sflag:$0x5] =	stream.indirect_vreg.gather [hbm4b:s6+s3], $0x80, v4, vm0, $0xb8;
	[tilespmem:$0x1E200] =	vst v63  }
0xc8: {  	s13 =	simm.s32 $0x19A00  }
0xc9: {  	[tilespmem:s13], [sflag:$0x5] =	stream.indirect_vreg.gather [hbm4b:s1+s3], $0x80, v3, vm0, $0xb8;
	[tilespmem:$0x1E200] =	vst v63  }
0xca: {  	s14 =	simm.s32 $0x1A200  }
0xcb: {  	[tilespmem:s14], [sflag:$0x5] =	stream.indirect_vreg.gather [hbm4b:s5+s3], $0x80, v3, vm0, $0xb8;
	[tilespmem:$0x1E200] =	vst v63  }
0xcc: {  	s17 =	simm.s32 $0x1AA00  }
0xcd: {  	[tilespmem:s17], [sflag:$0x5] =	stream.indirect_vreg.gather [hbm4b:s6+s3], $0x80, v3, vm0, $0xb8;
	[tilespmem:$0x1E200] =	vst v63  }
0xce: {  	v3 =	vld [tilespmem:$0x90];
	_ =	sdelay $0x4  }
0xcf: {  	v41 =	vshrl.u32 v3, $0x3  }
0xd0: {  	v4 =	vmul.u32 $0x30, v41  }
0xd1: {  	v3 =	vand.u32 $0x7, v3  }
0xd2: {  	v3 =	vor.u32 v3, v4  }
0xd3: {  	v4 =	vperm.xlane v3, v0;
	_ =	sdelay $0x1  }
0xd4: {  	v4 =	vadd.s32 v1, v4;
	_ =	sdelay $0x3  }
0xd5: {  	s18 =	simm.s32 $0x1B200;
	v3 =	vperm.xlane v3, v2  }
0xd6: {  	[tilespmem:s18], [sflag:$0x5] =	stream.indirect_vreg.gather [hbm4b:s1+s3], $0x80, v4, vm0, $0xb8;
	[tilespmem:$0x1E200] =	vst v63  }
0xd7: {  	s11 =	simm.s32 $0x1BA00;
	v3 =	vadd.s32 v1, v3  }
0xd8: {  	[tilespmem:s11], [sflag:$0x5] =	stream.indirect_vreg.gather [hbm4b:s5+s3], $0x80, v4, vm0, $0xb8;
	[tilespmem:$0x1E200] =	vst v63  }
0xd9: {  	s12 =	simm.s32 $0x1C200  }
0xda: {  	[tilespmem:s12], [sflag:$0x5] =	stream.indirect_vreg.gather [hbm4b:s6+s3], $0x80, v4, vm0, $0xb8;
	[tilespmem:$0x1E200] =	vst v63  }
0xdb: {  	s13 =	simm.s32 $0x1CA00  }
0xdc: {  	[tilespmem:s13], [sflag:$0x5] =	stream.indirect_vreg.gather [hbm4b:s1+s3], $0x80, v3, vm0, $0xb8;
	[tilespmem:$0x1E200] =	vst v63  }
0xdd: {  	s14 =	simm.s32 $0x1D200  }
0xde: {  	[tilespmem:s14], [sflag:$0x5] =	stream.indirect_vreg.gather [hbm4b:s5+s3], $0x80, v3, vm0, $0xb8;
	[tilespmem:$0x1E200] =	vst v63  }
0xdf: {  	s17 =	simm.s32 $0x1DA00  }
0xe0: {  	[tilespmem:s17], [sflag:$0x5] =	stream.indirect_vreg.gather [hbm4b:s6+s3], $0x80, v3, vm0, $0xb8;
	[tilespmem:$0x1E200] =	vst v63  }
0xe1: {  	_ =	swait.ge [sflag:s25], $0x6000  }
0xe2: {  	[sflag:s25] =	ssyncset.done $0x0  }
0xe3: {  	s18 =	rddreg [dreg:$0x5];
	[sflag:s25] =	ssyncadd.s32 $0xFFFFA000  }
0xe4: {  	[hbm4b:s18+s3] =	stream.linear.scatter [tilespmem:s4], [sflag:$0x7], $0x6000, $0x38;
	[tilespmem:$0x1E200] =	vst v63  }
0xe5: {  	_ =	swait.ge [sflag:s26], $0x6000  }
0xe6: {  	[sflag:s26] =	ssyncset.done $0x0  }
0xe7: {  	[sflag:s26] =	ssyncadd.s32 $0xFFFFA000  }
0xe8: {  	v3 =	vld [tilespmem:$0xA0];
	_ =	sdelay $0x4  }
0xe9: {  	v42 =	vshrl.u32 v3, $0x3  }
0xea: {  	v4 =	vmul.u32 $0x30, v42  }
0xeb: {  	v3 =	vand.u32 $0x7, v3  }
0xec: {  	v3 =	vor.u32 v3, v4  }
0xed: {  	v4 =	vperm.xlane v3, v0;
	_ =	sdelay $0x1  }
0xee: {  	v4 =	vadd.s32 v1, v4;
	_ =	sdelay $0x3  }
0xef: {  	v3 =	vperm.xlane v3, v2  }
0xf0: {  	[tilespmem:s19], [sflag:$0x1] =	stream.indirect_vreg.gather [hbm4b:s1+s3], $0x80, v4, vm0, $0xb8;
	[tilespmem:$0x1E200] =	vst v63  }
0xf1: {  	s11 =	simm.s32 $0xA00;
	v3 =	vadd.s32 v1, v3  }
0xf2: {  	[tilespmem:s11], [sflag:$0x1] =	stream.indirect_vreg.gather [hbm4b:s5+s3], $0x80, v4, vm0, $0xb8;
	[tilespmem:$0x1E200] =	vst v63  }
0xf3: {  	s12 =	simm.s32 $0x1200  }
0xf4: {  	[tilespmem:s12], [sflag:$0x1] =	stream.indirect_vreg.gather [hbm4b:s6+s3], $0x80, v4, vm0, $0xb8;
	[tilespmem:$0x1E200] =	vst v63  }
0xf5: {  	s13 =	simm.s32 $0x1A00  }
0xf6: {  	[tilespmem:s13], [sflag:$0x1] =	stream.indirect_vreg.gather [hbm4b:s1+s3], $0x80, v3, vm0, $0xb8;
	[tilespmem:$0x1E200] =	vst v63  }
0xf7: {  	s14 =	simm.s32 $0x2200  }
0xf8: {  	[tilespmem:s14], [sflag:$0x1] =	stream.indirect_vreg.gather [hbm4b:s5+s3], $0x80, v3, vm0, $0xb8;
	[tilespmem:$0x1E200] =	vst v63  }
0xf9: {  	s15 =	simm.s32 $0x2A00  }
0xfa: {  	[tilespmem:s15], [sflag:$0x1] =	stream.indirect_vreg.gather [hbm4b:s6+s3], $0x80, v3, vm0, $0xb8;
	[tilespmem:$0x1E200] =	vst v63  }
0xfb: {  	v3 =	vld [tilespmem:$0xB0];
	_ =	sdelay $0x4  }
0xfc: {  	v43 =	vshrl.u32 v3, $0x3  }
0xfd: {  	v4 =	vmul.u32 $0x30, v43  }
0xfe: {  	v3 =	vand.u32 $0x7, v3  }
0xff: {  	v3 =	vor.u32 v3, v4  }
0x100: {  	v4 =	vperm.xlane v3, v0;
	_ =	sdelay $0x1  }
0x101: {  	v4 =	vadd.s32 v1, v4;
	_ =	sdelay $0x3  }
0x102: {  	s16 =	simm.s32 $0x3200;
	v3 =	vperm.xlane v3, v2  }
0x103: {  	[tilespmem:s16], [sflag:$0x1] =	stream.indirect_vreg.gather [hbm4b:s1+s3], $0x80, v4, vm0, $0xb8;
	[tilespmem:$0x1E200] =	vst v63  }
0x104: {  	s15 =	simm.s32 $0x3A00;
	v3 =	vadd.s32 v1, v3  }
0x105: {  	[tilespmem:s15], [sflag:$0x1] =	stream.indirect_vreg.gather [hbm4b:s5+s3], $0x80, v4, vm0, $0xb8;
	[tilespmem:$0x1E200] =	vst v63  }
0x106: {  	s16 =	simm.s32 $0x4200  }
0x107: {  	[tilespmem:s16], [sflag:$0x1] =	stream.indirect_vreg.gather [hbm4b:s6+s3], $0x80, v4, vm0, $0xb8;
	[tilespmem:$0x1E200] =	vst v63  }
0x108: {  	s17 =	simm.s32 $0x4A00  }
0x109: {  	[tilespmem:s17], [sflag:$0x1] =	stream.indirect_vreg.gather [hbm4b:s1+s3], $0x80, v3, vm0, $0xb8;
	[tilespmem:$0x1E200] =	vst v63  }
0x10a: {  	s18 =	simm.s32 $0x5200  }
0x10b: {  	[tilespmem:s18], [sflag:$0x1] =	stream.indirect_vreg.gather [hbm4b:s5+s3], $0x80, v3, vm0, $0xb8;
	[tilespmem:$0x1E200] =	vst v63  }
0x10c: {  	s20 =	simm.s32 $0x5A00  }
0x10d: {  	[tilespmem:s20], [sflag:$0x1] =	stream.indirect_vreg.gather [hbm4b:s6+s3], $0x80, v3, vm0, $0xb8;
	[tilespmem:$0x1E200] =	vst v63  }
0x10e: {  	_ =	swait.ge [sflag:s28], $0x6000  }
0x10f: {  	[sflag:s28] =	ssyncset.done $0x0  }
0x110: {  	s20 =	rddreg [dreg:$0x6];
	[sflag:s28] =	ssyncadd.s32 $0xFFFFA000  }
0x111: {  	[hbm4b:s20+s3] =	stream.linear.scatter [tilespmem:s21], [sflag:$0x8], $0x6000, $0x38;
	[tilespmem:$0x1E200] =	vst v63  }
0x112: {  	_ =	swait.ge [sflag:s29], $0x6000  }
0x113: {  	[sflag:s29] =	ssyncset.done $0x0  }
0x114: {  	[sflag:s29] =	ssyncadd.s32 $0xFFFFA000  }
0x115: {  	v3 =	vld [tilespmem:$0xC0];
	_ =	sdelay $0x4  }
0x116: {  	v44 =	vshrl.u32 v3, $0x3  }
0x117: {  	v4 =	vmul.u32 $0x30, v44  }
0x118: {  	v3 =	vand.u32 $0x7, v3  }
0x119: {  	v3 =	vor.u32 v3, v4  }
0x11a: {  	v4 =	vperm.xlane v3, v0;
	_ =	sdelay $0x1  }
0x11b: {  	v4 =	vadd.s32 v1, v4;
	_ =	sdelay $0x3  }
0x11c: {  	v3 =	vperm.xlane v3, v2  }
0x11d: {  	[tilespmem:s4], [sflag:$0x2] =	stream.indirect_vreg.gather [hbm4b:s1+s3], $0x80, v4, vm0, $0xb8;
	[tilespmem:$0x1E200] =	vst v63  }
0x11e: {  	v3 =	vadd.s32 v1, v3  }
0x11f: {  	[tilespmem:s22], [sflag:$0x2] =	stream.indirect_vreg.gather [hbm4b:s5+s3], $0x80, v4, vm0, $0xb8;
	[tilespmem:$0x1E200] =	vst v63  }
0x120: {  	s20 =	simm.s32 $0x7200  }
0x121: {  	[tilespmem:s20], [sflag:$0x2] =	stream.indirect_vreg.gather [hbm4b:s6+s3], $0x80, v4, vm0, $0xb8;
	[tilespmem:$0x1E200] =	vst v63  }
0x122: {  	s20 =	simm.s32 $0x7A00  }
0x123: {  	[tilespmem:s20], [sflag:$0x2] =	stream.indirect_vreg.gather [hbm4b:s1+s3], $0x80, v3, vm0, $0xb8;
	[tilespmem:$0x1E200] =	vst v63  }
0x124: {  	s20 =	simm.s32 $0x8200  }
0x125: {  	[tilespmem:s20], [sflag:$0x2] =	stream.indirect_vreg.gather [hbm4b:s5+s3], $0x80, v3, vm0, $0xb8;
	[tilespmem:$0x1E200] =	vst v63  }
0x126: {  	s20 =	simm.s32 $0x8A00  }
0x127: {  	[tilespmem:s20], [sflag:$0x2] =	stream.indirect_vreg.gather [hbm4b:s6+s3], $0x80, v3, vm0, $0xb8;
	[tilespmem:$0x1E200] =	vst v63  }
0x128: {  	v3 =	vld [tilespmem:$0xD0];
	_ =	sdelay $0x4  }
0x129: {  	v45 =	vshrl.u32 v3, $0x3  }
0x12a: {  	v4 =	vmul.u32 $0x30, v45  }
0x12b: {  	v3 =	vand.u32 $0x7, v3  }
0x12c: {  	v3 =	vor.u32 v3, v4  }
0x12d: {  	v4 =	vperm.xlane v3, v0;
	_ =	sdelay $0x1  }
0x12e: {  	v4 =	vadd.s32 v1, v4;
	_ =	sdelay $0x3  }
0x12f: {  	s20 =	simm.s32 $0x9200;
	v3 =	vperm.xlane v3, v2  }
0x130: {  	[tilespmem:s20], [sflag:$0x2] =	stream.indirect_vreg.gather [hbm4b:s1+s3], $0x80, v4, vm0, $0xb8;
	[tilespmem:$0x1E200] =	vst v63  }
0x131: {  	v3 =	vadd.s32 v1, v3;
	s20 =	simm.s32 $0x9A00  }
0x132: {  	[tilespmem:s20], [sflag:$0x2] =	stream.indirect_vreg.gather [hbm4b:s5+s3], $0x80, v4, vm0, $0xb8;
	[tilespmem:$0x1E200] =	vst v63  }
0x133: {  	s20 =	simm.s32 $0xA200  }
0x134: {  	[tilespmem:s20], [sflag:$0x2] =	stream.indirect_vreg.gather [hbm4b:s6+s3], $0x80, v4, vm0, $0xb8;
	[tilespmem:$0x1E200] =	vst v63  }
0x135: {  	s20 =	simm.s32 $0xAA00  }
0x136: {  	[tilespmem:s20], [sflag:$0x2] =	stream.indirect_vreg.gather [hbm4b:s1+s3], $0x80, v3, vm0, $0xb8;
	[tilespmem:$0x1E200] =	vst v63  }
0x137: {  	s20 =	simm.s32 $0xB200  }
0x138: {  	[tilespmem:s20], [sflag:$0x2] =	stream.indirect_vreg.gather [hbm4b:s5+s3], $0x80, v3, vm0, $0xb8;
	[tilespmem:$0x1E200] =	vst v63  }
0x139: {  	s20 =	simm.s32 $0xBA00  }
0x13a: {  	[tilespmem:s20], [sflag:$0x2] =	stream.indirect_vreg.gather [hbm4b:s6+s3], $0x80, v3, vm0, $0xb8;
	[tilespmem:$0x1E200] =	vst v63  }
0x13b: {  	_ =	swait.ge [sflag:s30], $0x6000  }
0x13c: {  	[sflag:s30] =	ssyncset.done $0x0  }
0x13d: {  	s20 =	rddreg [dreg:$0x7];
	[sflag:s30] =	ssyncadd.s32 $0xFFFFA000  }
0x13e: {  	[hbm4b:s20+s3] =	stream.linear.scatter [tilespmem:s0], [sflag:$0x9], $0x6000, $0x38;
	[tilespmem:$0x1E200] =	vst v63  }
0x13f: {  	_ =	swait.ge [sflag:s31], $0x6000  }
0x140: {  	[sflag:s31] =	ssyncset.done $0x0  }
0x141: {  	[sflag:s31] =	ssyncadd.s32 $0xFFFFA000  }
0x142: {  	v3 =	vld [tilespmem:$0xE0];
	_ =	sdelay $0x4  }
0x143: {  	v46 =	vshrl.u32 v3, $0x3  }
0x144: {  	v4 =	vmul.u32 $0x30, v46  }
0x145: {  	v3 =	vand.u32 $0x7, v3  }
0x146: {  	v3 =	vor.u32 v3, v4  }
0x147: {  	v4 =	vperm.xlane v3, v0;
	_ =	sdelay $0x1  }
0x148: {  	v4 =	vadd.s32 v1, v4;
	_ =	sdelay $0x3  }
0x149: {  	v3 =	vperm.xlane v3, v2  }
0x14a: {  	[tilespmem:s21], [sflag:$0x3] =	stream.indirect_vreg.gather [hbm4b:s1+s3], $0x80, v4, vm0, $0xb8;
	[tilespmem:$0x1E200] =	vst v63  }
0x14b: {  	s20 =	simm.s32 $0xCA00;
	v3 =	vadd.s32 v1, v3  }
0x14c: {  	[tilespmem:s20], [sflag:$0x3] =	stream.indirect_vreg.gather [hbm4b:s5+s3], $0x80, v4, vm0, $0xb8;
	[tilespmem:$0x1E200] =	vst v63  }
0x14d: {  	s20 =	simm.s32 $0xD200  }
0x14e: {  	[tilespmem:s20], [sflag:$0x3] =	stream.indirect_vreg.gather [hbm4b:s6+s3], $0x80, v4, vm0, $0xb8;
	[tilespmem:$0x1E200] =	vst v63  }
0x14f: {  	s20 =	simm.s32 $0xDA00  }
0x150: {  	[tilespmem:s20], [sflag:$0x3] =	stream.indirect_vreg.gather [hbm4b:s1+s3], $0x80, v3, vm0, $0xb8;
	[tilespmem:$0x1E200] =	vst v63  }
0x151: {  	s20 =	simm.s32 $0xE200  }
0x152: {  	[tilespmem:s20], [sflag:$0x3] =	stream.indirect_vreg.gather [hbm4b:s5+s3], $0x80, v3, vm0, $0xb8;
	[tilespmem:$0x1E200] =	vst v63  }
0x153: {  	s20 =	simm.s32 $0xEA00  }
0x154: {  	[tilespmem:s20], [sflag:$0x3] =	stream.indirect_vreg.gather [hbm4b:s6+s3], $0x80, v3, vm0, $0xb8;
	[tilespmem:$0x1E200] =	vst v63  }
0x155: {  	v3 =	vld [tilespmem:$0xF0];
	_ =	sdelay $0x4  }
0x156: {  	v47 =	vshrl.u32 v3, $0x3  }
0x157: {  	v4 =	vmul.u32 $0x30, v47  }
0x158: {  	v3 =	vand.u32 $0x7, v3  }
0x159: {  	v3 =	vor.u32 v3, v4  }
0x15a: {  	v4 =	vperm.xlane v3, v0;
	_ =	sdelay $0x1  }
0x15b: {  	v4 =	vadd.s32 v1, v4;
	_ =	sdelay $0x3  }
0x15c: {  	s20 =	simm.s32 $0xF200;
	v3 =	vperm.xlane v3, v2  }
0x15d: {  	[tilespmem:s20], [sflag:$0x3] =	stream.indirect_vreg.gather [hbm4b:s1+s3], $0x80, v4, vm0, $0xb8;
	[tilespmem:$0x1E200] =	vst v63  }
0x15e: {  	v3 =	vadd.s32 v1, v3;
	s20 =	simm.s32 $0xFA00  }
0x15f: {  	[tilespmem:s20], [sflag:$0x3] =	stream.indirect_vreg.gather [hbm4b:s5+s3], $0x80, v4, vm0, $0xb8;
	[tilespmem:$0x1E200] =	vst v63  }
0x160: {  	s20 =	simm.s32 $0x10200  }
0x161: {  	[tilespmem:s20], [sflag:$0x3] =	stream.indirect_vreg.gather [hbm4b:s6+s3], $0x80, v4, vm0, $0xb8;
	[tilespmem:$0x1E200] =	vst v63  }
0x162: {  	s20 =	simm.s32 $0x10A00  }
0x163: {  	[tilespmem:s20], [sflag:$0x3] =	stream.indirect_vreg.gather [hbm4b:s1+s3], $0x80, v3, vm0, $0xb8;
	[tilespmem:$0x1E200] =	vst v63  }
0x164: {  	s20 =	simm.s32 $0x11200  }
0x165: {  	[tilespmem:s20], [sflag:$0x3] =	stream.indirect_vreg.gather [hbm4b:s5+s3], $0x80, v3, vm0, $0xb8;
	[tilespmem:$0x1E200] =	vst v63  }
0x166: {  	s20 =	simm.s32 $0x11A00  }
0x167: {  	[tilespmem:s20], [sflag:$0x3] =	stream.indirect_vreg.gather [hbm4b:s6+s3], $0x80, v3, vm0, $0xb8;
	[tilespmem:$0x1E200] =	vst v63  }
0x168: {  	_ =	swait.ge [sflag:s2], $0x6000  }
0x169: {  	[sflag:s2] =	ssyncset.done $0x0  }
0x16a: {  	s20 =	rddreg [dreg:$0x8];
	[sflag:s2] =	ssyncadd.s32 $0xFFFFA000  }
0x16b: {  	[hbm4b:s20+s3] =	stream.linear.scatter [tilespmem:s9], [sflag:$0xA], $0x6000, $0x38;
	[tilespmem:$0x1E200] =	vst v63  }
0x16c: {  	_ =	swait.ge [sflag:s23], $0x6000  }
0x16d: {  	[sflag:s23] =	ssyncset.done $0x0  }
0x16e: {  	[sflag:s23] =	ssyncadd.s32 $0xFFFFA000  }
0x16f: {  	v3 =	vld [tilespmem:$0x100];
	_ =	sdelay $0x4  }
0x170: {  	v48 =	vshrl.u32 v3, $0x3  }
0x171: {  	v4 =	vmul.u32 $0x30, v48  }
0x172: {  	v3 =	vand.u32 $0x7, v3  }
0x173: {  	v3 =	vor.u32 v3, v4  }
0x174: {  	v4 =	vperm.xlane v3, v0;
	_ =	sdelay $0x1  }
0x175: {  	v4 =	vadd.s32 v1, v4;
	_ =	sdelay $0x3  }
0x176: {  	v3 =	vperm.xlane v3, v2  }
0x177: {  	[tilespmem:s0], [sflag:$0x4] =	stream.indirect_vreg.gather [hbm4b:s1+s3], $0x80, v4, vm0, $0xb8;
	[tilespmem:$0x1E200] =	vst v63  }
0x178: {  	s20 =	simm.s32 $0x12A00;
	v3 =	vadd.s32 v1, v3  }
0x179: {  	[tilespmem:s20], [sflag:$0x4] =	stream.indirect_vreg.gather [hbm4b:s5+s3], $0x80, v4, vm0, $0xb8;
	[tilespmem:$0x1E200] =	vst v63  }
0x17a: {  	s20 =	simm.s32 $0x13200  }
0x17b: {  	[tilespmem:s20], [sflag:$0x4] =	stream.indirect_vreg.gather [hbm4b:s6+s3], $0x80, v4, vm0, $0xb8;
	[tilespmem:$0x1E200] =	vst v63  }
0x17c: {  	s20 =	simm.s32 $0x13A00  }
0x17d: {  	[tilespmem:s20], [sflag:$0x4] =	stream.indirect_vreg.gather [hbm4b:s1+s3], $0x80, v3, vm0, $0xb8;
	[tilespmem:$0x1E200] =	vst v63  }
0x17e: {  	s20 =	simm.s32 $0x14200  }
0x17f: {  	[tilespmem:s20], [sflag:$0x4] =	stream.indirect_vreg.gather [hbm4b:s5+s3], $0x80, v3, vm0, $0xb8;
	[tilespmem:$0x1E200] =	vst v63  }
0x180: {  	s20 =	simm.s32 $0x14A00  }
0x181: {  	[tilespmem:s20], [sflag:$0x4] =	stream.indirect_vreg.gather [hbm4b:s6+s3], $0x80, v3, vm0, $0xb8;
	[tilespmem:$0x1E200] =	vst v63  }
0x182: {  	v3 =	vld [tilespmem:$0x110];
	_ =	sdelay $0x4  }
0x183: {  	v49 =	vshrl.u32 v3, $0x3  }
0x184: {  	v4 =	vmul.u32 $0x30, v49  }
0x185: {  	v3 =	vand.u32 $0x7, v3  }
0x186: {  	v3 =	vor.u32 v3, v4  }
0x187: {  	v4 =	vperm.xlane v3, v0;
	_ =	sdelay $0x1  }
0x188: {  	v4 =	vadd.s32 v1, v4;
	_ =	sdelay $0x3  }
0x189: {  	s20 =	simm.s32 $0x15200;
	v3 =	vperm.xlane v3, v2  }
0x18a: {  	[tilespmem:s20], [sflag:$0x4] =	stream.indirect_vreg.gather [hbm4b:s1+s3], $0x80, v4, vm0, $0xb8;
	[tilespmem:$0x1E200] =	vst v63  }
0x18b: {  	v3 =	vadd.s32 v1, v3;
	s20 =	simm.s32 $0x15A00  }
0x18c: {  	[tilespmem:s20], [sflag:$0x4] =	stream.indirect_vreg.gather [hbm4b:s5+s3], $0x80, v4, vm0, $0xb8;
	[tilespmem:$0x1E200] =	vst v63  }
0x18d: {  	s20 =	simm.s32 $0x16200  }
0x18e: {  	[tilespmem:s20], [sflag:$0x4] =	stream.indirect_vreg.gather [hbm4b:s6+s3], $0x80, v4, vm0, $0xb8;
	[tilespmem:$0x1E200] =	vst v63  }
0x18f: {  	s20 =	simm.s32 $0x16A00  }
0x190: {  	[tilespmem:s20], [sflag:$0x4] =	stream.indirect_vreg.gather [hbm4b:s1+s3], $0x80, v3, vm0, $0xb8;
	[tilespmem:$0x1E200] =	vst v63  }
0x191: {  	s20 =	simm.s32 $0x17200  }
0x192: {  	[tilespmem:s20], [sflag:$0x4] =	stream.indirect_vreg.gather [hbm4b:s5+s3], $0x80, v3, vm0, $0xb8;
	[tilespmem:$0x1E200] =	vst v63  }
0x193: {  	s20 =	simm.s32 $0x17A00  }
0x194: {  	[tilespmem:s20], [sflag:$0x4] =	stream.indirect_vreg.gather [hbm4b:s6+s3], $0x80, v3, vm0, $0xb8;
	[tilespmem:$0x1E200] =	vst v63  }
0x195: {  	_ =	swait.ge [sflag:s8], $0x6000  }
0x196: {  	[sflag:s8] =	ssyncset.done $0x0  }
0x197: {  	s20 =	rddreg [dreg:$0x9];
	[sflag:s8] =	ssyncadd.s32 $0xFFFFA000  }
0x198: {  	[hbm4b:s20+s3] =	stream.linear.scatter [tilespmem:s19], [sflag:$0x6], $0x6000, $0x38;
	[tilespmem:$0x1E200] =	vst v63  }
0x199: {  	_ =	swait.ge [sflag:s24], $0x6000  }
0x19a: {  	[sflag:s24] =	ssyncset.done $0x0  }
0x19b: {  	[sflag:s24] =	ssyncadd.s32 $0xFFFFA000  }
0x19c: {  	v3 =	vld [tilespmem:$0x120];
	_ =	sdelay $0x4  }
0x19d: {  	v50 =	vshrl.u32 v3, $0x3  }
0x19e: {  	v4 =	vmul.u32 $0x30, v50  }
0x19f: {  	v3 =	vand.u32 $0x7, v3  }
0x1a0: {  	v3 =	vor.u32 v3, v4  }
0x1a1: {  	v4 =	vperm.xlane v3, v0;
	_ =	sdelay $0x1  }
0x1a2: {  	v4 =	vadd.s32 v1, v4;
	_ =	sdelay $0x3  }
0x1a3: {  	v3 =	vperm.xlane v3, v2  }
0x1a4: {  	[tilespmem:s9], [sflag:$0x5] =	stream.indirect_vreg.gather [hbm4b:s1+s3], $0x80, v4, vm0, $0xb8;
	[tilespmem:$0x1E200] =	vst v63  }
0x1a5: {  	s20 =	simm.s32 $0x18A00;
	v3 =	vadd.s32 v1, v3  }
0x1a6: {  	[tilespmem:s20], [sflag:$0x5] =	stream.indirect_vreg.gather [hbm4b:s5+s3], $0x80, v4, vm0, $0xb8;
	[tilespmem:$0x1E200] =	vst v63  }
0x1a7: {  	s10 =	simm.s32 $0x19200  }
0x1a8: {  	[tilespmem:s10], [sflag:$0x5] =	stream.indirect_vreg.gather [hbm4b:s6+s3], $0x80, v4, vm0, $0xb8;
	[tilespmem:$0x1E200] =	vst v63  }
0x1a9: {  	s10 =	simm.s32 $0x19A00  }
0x1aa: {  	[tilespmem:s10], [sflag:$0x5] =	stream.indirect_vreg.gather [hbm4b:s1+s3], $0x80, v3, vm0, $0xb8;
	[tilespmem:$0x1E200] =	vst v63  }
0x1ab: {  	s10 =	simm.s32 $0x1A200  }
0x1ac: {  	[tilespmem:s10], [sflag:$0x5] =	stream.indirect_vreg.gather [hbm4b:s5+s3], $0x80, v3, vm0, $0xb8;
	[tilespmem:$0x1E200] =	vst v63  }
0x1ad: {  	s10 =	simm.s32 $0x1AA00  }
0x1ae: {  	[tilespmem:s10], [sflag:$0x5] =	stream.indirect_vreg.gather [hbm4b:s6+s3], $0x80, v3, vm0, $0xb8;
	[tilespmem:$0x1E200] =	vst v63  }
0x1af: {  	v3 =	vld [tilespmem:$0x130];
	_ =	sdelay $0x4  }
0x1b0: {  	v51 =	vshrl.u32 v3, $0x3  }
0x1b1: {  	v4 =	vmul.u32 $0x30, v51  }
0x1b2: {  	v3 =	vand.u32 $0x7, v3  }
0x1b3: {  	v3 =	vor.u32 v3, v4  }
0x1b4: {  	v4 =	vperm.xlane v3, v0;
	_ =	sdelay $0x1  }
0x1b5: {  	v4 =	vadd.s32 v1, v4;
	_ =	sdelay $0x3  }
0x1b6: {  	s10 =	simm.s32 $0x1B200;
	v3 =	vperm.xlane v3, v2  }
0x1b7: {  	[tilespmem:s10], [sflag:$0x5] =	stream.indirect_vreg.gather [hbm4b:s1+s3], $0x80, v4, vm0, $0xb8;
	[tilespmem:$0x1E200] =	vst v63  }
0x1b8: {  	v3 =	vadd.s32 v1, v3;
	s10 =	simm.s32 $0x1BA00  }
0x1b9: {  	[tilespmem:s10], [sflag:$0x5] =	stream.indirect_vreg.gather [hbm4b:s5+s3], $0x80, v4, vm0, $0xb8;
	[tilespmem:$0x1E200] =	vst v63  }
0x1ba: {  	s10 =	simm.s32 $0x1C200  }
0x1bb: {  	[tilespmem:s10], [sflag:$0x5] =	stream.indirect_vreg.gather [hbm4b:s6+s3], $0x80, v4, vm0, $0xb8;
	[tilespmem:$0x1E200] =	vst v63  }
0x1bc: {  	s10 =	simm.s32 $0x1CA00  }
0x1bd: {  	[tilespmem:s10], [sflag:$0x5] =	stream.indirect_vreg.gather [hbm4b:s1+s3], $0x80, v3, vm0, $0xb8;
	[tilespmem:$0x1E200] =	vst v63  }
0x1be: {  	s10 =	simm.s32 $0x1D200  }
0x1bf: {  	[tilespmem:s10], [sflag:$0x5] =	stream.indirect_vreg.gather [hbm4b:s5+s3], $0x80, v3, vm0, $0xb8;
	[tilespmem:$0x1E200] =	vst v63  }
0x1c0: {  	s10 =	simm.s32 $0x1DA00  }
0x1c1: {  	[tilespmem:s10], [sflag:$0x5] =	stream.indirect_vreg.gather [hbm4b:s6+s3], $0x80, v3, vm0, $0xb8;
	[tilespmem:$0x1E200] =	vst v63  }
0x1c2: {  	_ =	swait.ge [sflag:s25], $0x6000  }
0x1c3: {  	[sflag:s25] =	ssyncset.done $0x0  }
0x1c4: {  	s10 =	rddreg [dreg:$0xa];
	[sflag:s25] =	ssyncadd.s32 $0xFFFFA000  }
0x1c5: {  	[hbm4b:s10+s3] =	stream.linear.scatter [tilespmem:s4], [sflag:$0x7], $0x6000, $0x38;
	[tilespmem:$0x1E200] =	vst v63  }
0x1c6: {  	_ =	swait.ge [sflag:s26], $0x6000  }
0x1c7: {  	[sflag:s26] =	ssyncset.done $0x0  }
0x1c8: {  	[sflag:s26] =	ssyncadd.s32 $0xFFFFA000  }
0x1c9: {  	v3 =	vld [tilespmem:$0x140];
	_ =	sdelay $0x4  }
0x1ca: {  	v52 =	vshrl.u32 v3, $0x3  }
0x1cb: {  	v4 =	vmul.u32 $0x30, v52  }
0x1cc: {  	v3 =	vand.u32 $0x7, v3  }
0x1cd: {  	v3 =	vor.u32 v3, v4  }
0x1ce: {  	v4 =	vperm.xlane v3, v0;
	_ =	sdelay $0x1  }
0x1cf: {  	v4 =	vadd.s32 v1, v4;
	_ =	sdelay $0x3  }
0x1d0: {  	v3 =	vperm.xlane v3, v2  }
0x1d1: {  	[tilespmem:s19], [sflag:$0x1] =	stream.indirect_vreg.gather [hbm4b:s1+s3], $0x80, v4, vm0, $0xb8;
	[tilespmem:$0x1E200] =	vst v63  }
0x1d2: {  	v3 =	vadd.s32 v1, v3  }
0x1d3: {  	[tilespmem:s11], [sflag:$0x1] =	stream.indirect_vreg.gather [hbm4b:s5+s3], $0x80, v4, vm0, $0xb8;
	[tilespmem:$0x1E200] =	vst v63  }
0x1d4: {  	_ = 	snop  }
0x1d5: {  	[tilespmem:s12], [sflag:$0x1] =	stream.indirect_vreg.gather [hbm4b:s6+s3], $0x80, v4, vm0, $0xb8;
	[tilespmem:$0x1E200] =	vst v63  }
0x1d6: {  	_ = 	snop  }
0x1d7: {  	[tilespmem:s13], [sflag:$0x1] =	stream.indirect_vreg.gather [hbm4b:s1+s3], $0x80, v3, vm0, $0xb8;
	[tilespmem:$0x1E200] =	vst v63  }
0x1d8: {  	_ = 	snop  }
0x1d9: {  	[tilespmem:s14], [sflag:$0x1] =	stream.indirect_vreg.gather [hbm4b:s5+s3], $0x80, v3, vm0, $0xb8;
	[tilespmem:$0x1E200] =	vst v63  }
0x1da: {  	s10 =	simm.s32 $0x2A00  }
0x1db: {  	[tilespmem:s10], [sflag:$0x1] =	stream.indirect_vreg.gather [hbm4b:s6+s3], $0x80, v3, vm0, $0xb8;
	[tilespmem:$0x1E200] =	vst v63  }
0x1dc: {  	v3 =	vld [tilespmem:$0x150];
	_ =	sdelay $0x4  }
0x1dd: {  	v53 =	vshrl.u32 v3, $0x3  }
0x1de: {  	v4 =	vmul.u32 $0x30, v53  }
0x1df: {  	v3 =	vand.u32 $0x7, v3  }
0x1e0: {  	v3 =	vor.u32 v3, v4  }
0x1e1: {  	v4 =	vperm.xlane v3, v0;
	_ =	sdelay $0x1  }
0x1e2: {  	v4 =	vadd.s32 v1, v4;
	_ =	sdelay $0x3  }
0x1e3: {  	s10 =	simm.s32 $0x3200;
	v3 =	vperm.xlane v3, v2  }
0x1e4: {  	[tilespmem:s10], [sflag:$0x1] =	stream.indirect_vreg.gather [hbm4b:s1+s3], $0x80, v4, vm0, $0xb8;
	[tilespmem:$0x1E200] =	vst v63  }
0x1e5: {  	v3 =	vadd.s32 v1, v3  }
0x1e6: {  	[tilespmem:s15], [sflag:$0x1] =	stream.indirect_vreg.gather [hbm4b:s5+s3], $0x80, v4, vm0, $0xb8;
	[tilespmem:$0x1E200] =	vst v63  }
0x1e7: {  	_ = 	snop  }
0x1e8: {  	[tilespmem:s16], [sflag:$0x1] =	stream.indirect_vreg.gather [hbm4b:s6+s3], $0x80, v4, vm0, $0xb8;
	[tilespmem:$0x1E200] =	vst v63  }
0x1e9: {  	_ = 	snop  }
0x1ea: {  	[tilespmem:s17], [sflag:$0x1] =	stream.indirect_vreg.gather [hbm4b:s1+s3], $0x80, v3, vm0, $0xb8;
	[tilespmem:$0x1E200] =	vst v63  }
0x1eb: {  	_ = 	snop  }
0x1ec: {  	[tilespmem:s18], [sflag:$0x1] =	stream.indirect_vreg.gather [hbm4b:s5+s3], $0x80, v3, vm0, $0xb8;
	[tilespmem:$0x1E200] =	vst v63  }
0x1ed: {  	s10 =	simm.s32 $0x5A00  }
0x1ee: {  	[tilespmem:s10], [sflag:$0x1] =	stream.indirect_vreg.gather [hbm4b:s6+s3], $0x80, v3, vm0, $0xb8;
	[tilespmem:$0x1E200] =	vst v63  }
0x1ef: {  	_ =	swait.ge [sflag:s28], $0x6000  }
0x1f0: {  	[sflag:s28] =	ssyncset.done $0x0  }
0x1f1: {  	s10 =	rddreg [dreg:$0xb];
	[sflag:s28] =	ssyncadd.s32 $0xFFFFA000  }
0x1f2: {  	[hbm4b:s10+s3] =	stream.linear.scatter [tilespmem:s21], [sflag:$0x8], $0x6000, $0x38;
	[tilespmem:$0x1E200] =	vst v63  }
0x1f3: {  	_ =	swait.ge [sflag:s29], $0x6000  }
0x1f4: {  	[sflag:s29] =	ssyncset.done $0x0  }
0x1f5: {  	[sflag:s29] =	ssyncadd.s32 $0xFFFFA000  }
0x1f6: {  	v3 =	vld [tilespmem:$0x160];
	_ =	sdelay $0x4  }
0x1f7: {  	v54 =	vshrl.u32 v3, $0x3  }
0x1f8: {  	v4 =	vmul.u32 $0x30, v54  }
0x1f9: {  	v3 =	vand.u32 $0x7, v3  }
0x1fa: {  	v3 =	vor.u32 v3, v4  }
0x1fb: {  	v4 =	vperm.xlane v3, v0;
	_ =	sdelay $0x1  }
0x1fc: {  	v4 =	vadd.s32 v1, v4;
	_ =	sdelay $0x3  }
0x1fd: {  	v3 =	vperm.xlane v3, v2  }
0x1fe: {  	[tilespmem:s4], [sflag:$0x2] =	stream.indirect_vreg.gather [hbm4b:s1+s3], $0x80, v4, vm0, $0xb8;
	[tilespmem:$0x1E200] =	vst v63  }
0x1ff: {  	v3 =	vadd.s32 v1, v3  }
0x200: {  	[tilespmem:s22], [sflag:$0x2] =	stream.indirect_vreg.gather [hbm4b:s5+s3], $0x80, v4, vm0, $0xb8;
	[tilespmem:$0x1E200] =	vst v63  }
0x201: {  	s10 =	simm.s32 $0x7200  }
0x202: {  	[tilespmem:s10], [sflag:$0x2] =	stream.indirect_vreg.gather [hbm4b:s6+s3], $0x80, v4, vm0, $0xb8;
	[tilespmem:$0x1E200] =	vst v63  }
0x203: {  	s10 =	simm.s32 $0x7A00  }
0x204: {  	[tilespmem:s10], [sflag:$0x2] =	stream.indirect_vreg.gather [hbm4b:s1+s3], $0x80, v3, vm0, $0xb8;
	[tilespmem:$0x1E200] =	vst v63  }
0x205: {  	s10 =	simm.s32 $0x8200  }
0x206: {  	[tilespmem:s10], [sflag:$0x2] =	stream.indirect_vreg.gather [hbm4b:s5+s3], $0x80, v3, vm0, $0xb8;
	[tilespmem:$0x1E200] =	vst v63  }
0x207: {  	s10 =	simm.s32 $0x8A00  }
0x208: {  	[tilespmem:s10], [sflag:$0x2] =	stream.indirect_vreg.gather [hbm4b:s6+s3], $0x80, v3, vm0, $0xb8;
	[tilespmem:$0x1E200] =	vst v63  }
0x209: {  	v3 =	vld [tilespmem:$0x170];
	_ =	sdelay $0x4  }
0x20a: {  	v55 =	vshrl.u32 v3, $0x3  }
0x20b: {  	v4 =	vmul.u32 $0x30, v55  }
0x20c: {  	v3 =	vand.u32 $0x7, v3  }
0x20d: {  	v3 =	vor.u32 v3, v4  }
0x20e: {  	v4 =	vperm.xlane v3, v0;
	_ =	sdelay $0x1  }
0x20f: {  	v4 =	vadd.s32 v1, v4;
	_ =	sdelay $0x3  }
0x210: {  	s10 =	simm.s32 $0x9200;
	v3 =	vperm.xlane v3, v2  }
0x211: {  	[tilespmem:s10], [sflag:$0x2] =	stream.indirect_vreg.gather [hbm4b:s1+s3], $0x80, v4, vm0, $0xb8;
	[tilespmem:$0x1E200] =	vst v63  }
0x212: {  	v3 =	vadd.s32 v1, v3;
	s10 =	simm.s32 $0x9A00  }
0x213: {  	[tilespmem:s10], [sflag:$0x2] =	stream.indirect_vreg.gather [hbm4b:s5+s3], $0x80, v4, vm0, $0xb8;
	[tilespmem:$0x1E200] =	vst v63  }
0x214: {  	s10 =	simm.s32 $0xA200  }
0x215: {  	[tilespmem:s10], [sflag:$0x2] =	stream.indirect_vreg.gather [hbm4b:s6+s3], $0x80, v4, vm0, $0xb8;
	[tilespmem:$0x1E200] =	vst v63  }
0x216: {  	s10 =	simm.s32 $0xAA00  }
0x217: {  	[tilespmem:s10], [sflag:$0x2] =	stream.indirect_vreg.gather [hbm4b:s1+s3], $0x80, v3, vm0, $0xb8;
	[tilespmem:$0x1E200] =	vst v63  }
0x218: {  	s10 =	simm.s32 $0xB200  }
0x219: {  	[tilespmem:s10], [sflag:$0x2] =	stream.indirect_vreg.gather [hbm4b:s5+s3], $0x80, v3, vm0, $0xb8;
	[tilespmem:$0x1E200] =	vst v63  }
0x21a: {  	s10 =	simm.s32 $0xBA00  }
0x21b: {  	[tilespmem:s10], [sflag:$0x2] =	stream.indirect_vreg.gather [hbm4b:s6+s3], $0x80, v3, vm0, $0xb8;
	[tilespmem:$0x1E200] =	vst v63  }
0x21c: {  	_ =	swait.ge [sflag:s30], $0x6000  }
0x21d: {  	[sflag:s30] =	ssyncset.done $0x0  }
0x21e: {  	s10 =	rddreg [dreg:$0xc];
	[sflag:s30] =	ssyncadd.s32 $0xFFFFA000  }
0x21f: {  	[hbm4b:s10+s3] =	stream.linear.scatter [tilespmem:s0], [sflag:$0x9], $0x6000, $0x38;
	[tilespmem:$0x1E200] =	vst v63  }
0x220: {  	_ =	swait.ge [sflag:s31], $0x6000  }
0x221: {  	[sflag:s31] =	ssyncset.done $0x0  }
0x222: {  	[sflag:s31] =	ssyncadd.s32 $0xFFFFA000  }
0x223: {  	v3 =	vld [tilespmem:$0x180];
	_ =	sdelay $0x4  }
0x224: {  	v56 =	vshrl.u32 v3, $0x3  }
0x225: {  	v4 =	vmul.u32 $0x30, v56  }
0x226: {  	v3 =	vand.u32 $0x7, v3  }
0x227: {  	v3 =	vor.u32 v3, v4  }
0x228: {  	v4 =	vperm.xlane v3, v0;
	_ =	sdelay $0x1  }
0x229: {  	v4 =	vadd.s32 v1, v4;
	_ =	sdelay $0x3  }
0x22a: {  	v3 =	vperm.xlane v3, v2  }
0x22b: {  	[tilespmem:s21], [sflag:$0x3] =	stream.indirect_vreg.gather [hbm4b:s1+s3], $0x80, v4, vm0, $0xb8;
	[tilespmem:$0x1E200] =	vst v63  }
0x22c: {  	s10 =	simm.s32 $0xCA00;
	v3 =	vadd.s32 v1, v3  }
0x22d: {  	[tilespmem:s10], [sflag:$0x3] =	stream.indirect_vreg.gather [hbm4b:s5+s3], $0x80, v4, vm0, $0xb8;
	[tilespmem:$0x1E200] =	vst v63  }
0x22e: {  	s10 =	simm.s32 $0xD200  }
0x22f: {  	[tilespmem:s10], [sflag:$0x3] =	stream.indirect_vreg.gather [hbm4b:s6+s3], $0x80, v4, vm0, $0xb8;
	[tilespmem:$0x1E200] =	vst v63  }
0x230: {  	s10 =	simm.s32 $0xDA00  }
0x231: {  	[tilespmem:s10], [sflag:$0x3] =	stream.indirect_vreg.gather [hbm4b:s1+s3], $0x80, v3, vm0, $0xb8;
	[tilespmem:$0x1E200] =	vst v63  }
0x232: {  	s10 =	simm.s32 $0xE200  }
0x233: {  	[tilespmem:s10], [sflag:$0x3] =	stream.indirect_vreg.gather [hbm4b:s5+s3], $0x80, v3, vm0, $0xb8;
	[tilespmem:$0x1E200] =	vst v63  }
0x234: {  	s10 =	simm.s32 $0xEA00  }
0x235: {  	[tilespmem:s10], [sflag:$0x3] =	stream.indirect_vreg.gather [hbm4b:s6+s3], $0x80, v3, vm0, $0xb8;
	[tilespmem:$0x1E200] =	vst v63  }
0x236: {  	v3 =	vld [tilespmem:$0x190];
	_ =	sdelay $0x4  }
0x237: {  	v57 =	vshrl.u32 v3, $0x3  }
0x238: {  	v4 =	vmul.u32 $0x30, v57  }
0x239: {  	v3 =	vand.u32 $0x7, v3  }
0x23a: {  	v3 =	vor.u32 v3, v4  }
0x23b: {  	v4 =	vperm.xlane v3, v0;
	_ =	sdelay $0x1  }
0x23c: {  	v4 =	vadd.s32 v1, v4;
	_ =	sdelay $0x3  }
0x23d: {  	s10 =	simm.s32 $0xF200;
	v3 =	vperm.xlane v3, v2  }
0x23e: {  	[tilespmem:s10], [sflag:$0x3] =	stream.indirect_vreg.gather [hbm4b:s1+s3], $0x80, v4, vm0, $0xb8;
	[tilespmem:$0x1E200] =	vst v63  }
0x23f: {  	v3 =	vadd.s32 v1, v3;
	s10 =	simm.s32 $0xFA00  }
0x240: {  	[tilespmem:s10], [sflag:$0x3] =	stream.indirect_vreg.gather [hbm4b:s5+s3], $0x80, v4, vm0, $0xb8;
	[tilespmem:$0x1E200] =	vst v63  }
0x241: {  	s10 =	simm.s32 $0x10200  }
0x242: {  	[tilespmem:s10], [sflag:$0x3] =	stream.indirect_vreg.gather [hbm4b:s6+s3], $0x80, v4, vm0, $0xb8;
	[tilespmem:$0x1E200] =	vst v63  }
0x243: {  	s10 =	simm.s32 $0x10A00  }
0x244: {  	[tilespmem:s10], [sflag:$0x3] =	stream.indirect_vreg.gather [hbm4b:s1+s3], $0x80, v3, vm0, $0xb8;
	[tilespmem:$0x1E200] =	vst v63  }
0x245: {  	s10 =	simm.s32 $0x11200  }
0x246: {  	[tilespmem:s10], [sflag:$0x3] =	stream.indirect_vreg.gather [hbm4b:s5+s3], $0x80, v3, vm0, $0xb8;
	[tilespmem:$0x1E200] =	vst v63  }
0x247: {  	s10 =	simm.s32 $0x11A00  }
0x248: {  	[tilespmem:s10], [sflag:$0x3] =	stream.indirect_vreg.gather [hbm4b:s6+s3], $0x80, v3, vm0, $0xb8;
	[tilespmem:$0x1E200] =	vst v63  }
0x249: {  	_ =	swait.ge [sflag:s2], $0x6000  }
0x24a: {  	[sflag:s2] =	ssyncset.done $0x0  }
0x24b: {  	s10 =	rddreg [dreg:$0xd];
	[sflag:s2] =	ssyncadd.s32 $0xFFFFA000  }
0x24c: {  	[hbm4b:s10+s3] =	stream.linear.scatter [tilespmem:s9], [sflag:$0xA], $0x6000, $0x38;
	[tilespmem:$0x1E200] =	vst v63  }
0x24d: {  	_ =	swait.ge [sflag:s23], $0x6000  }
0x24e: {  	[sflag:s23] =	ssyncset.done $0x0  }
0x24f: {  	[sflag:s23] =	ssyncadd.s32 $0xFFFFA000  }
0x250: {  	v3 =	vld [tilespmem:$0x1A0];
	_ =	sdelay $0x4  }
0x251: {  	v58 =	vshrl.u32 v3, $0x3  }
0x252: {  	v4 =	vmul.u32 $0x30, v58  }
0x253: {  	v3 =	vand.u32 $0x7, v3  }
0x254: {  	v3 =	vor.u32 v3, v4  }
0x255: {  	v4 =	vperm.xlane v3, v0;
	_ =	sdelay $0x1  }
0x256: {  	v4 =	vadd.s32 v1, v4;
	_ =	sdelay $0x3  }
0x257: {  	v3 =	vperm.xlane v3, v2  }
0x258: {  	[tilespmem:s0], [sflag:$0x4] =	stream.indirect_vreg.gather [hbm4b:s1+s3], $0x80, v4, vm0, $0xb8;
	[tilespmem:$0x1E200] =	vst v63  }
0x259: {  	s10 =	simm.s32 $0x12A00;
	v3 =	vadd.s32 v1, v3  }
0x25a: {  	[tilespmem:s10], [sflag:$0x4] =	stream.indirect_vreg.gather [hbm4b:s5+s3], $0x80, v4, vm0, $0xb8;
	[tilespmem:$0x1E200] =	vst v63  }
0x25b: {  	s10 =	simm.s32 $0x13200  }
0x25c: {  	[tilespmem:s10], [sflag:$0x4] =	stream.indirect_vreg.gather [hbm4b:s6+s3], $0x80, v4, vm0, $0xb8;
	[tilespmem:$0x1E200] =	vst v63  }
0x25d: {  	s10 =	simm.s32 $0x13A00  }
0x25e: {  	[tilespmem:s10], [sflag:$0x4] =	stream.indirect_vreg.gather [hbm4b:s1+s3], $0x80, v3, vm0, $0xb8;
	[tilespmem:$0x1E200] =	vst v63  }
0x25f: {  	s10 =	simm.s32 $0x14200  }
0x260: {  	[tilespmem:s10], [sflag:$0x4] =	stream.indirect_vreg.gather [hbm4b:s5+s3], $0x80, v3, vm0, $0xb8;
	[tilespmem:$0x1E200] =	vst v63  }
0x261: {  	s10 =	simm.s32 $0x14A00  }
0x262: {  	[tilespmem:s10], [sflag:$0x4] =	stream.indirect_vreg.gather [hbm4b:s6+s3], $0x80, v3, vm0, $0xb8;
	[tilespmem:$0x1E200] =	vst v63  }
0x263: {  	v3 =	vld [tilespmem:$0x1B0];
	_ =	sdelay $0x4  }
0x264: {  	v59 =	vshrl.u32 v3, $0x3  }
0x265: {  	v4 =	vmul.u32 $0x30, v59  }
0x266: {  	v3 =	vand.u32 $0x7, v3  }
0x267: {  	v3 =	vor.u32 v3, v4  }
0x268: {  	v4 =	vperm.xlane v3, v0;
	_ =	sdelay $0x1  }
0x269: {  	v4 =	vadd.s32 v1, v4;
	_ =	sdelay $0x3  }
0x26a: {  	s10 =	simm.s32 $0x15200;
	v3 =	vperm.xlane v3, v2  }
0x26b: {  	[tilespmem:s10], [sflag:$0x4] =	stream.indirect_vreg.gather [hbm4b:s1+s3], $0x80, v4, vm0, $0xb8;
	[tilespmem:$0x1E200] =	vst v63  }
0x26c: {  	v3 =	vadd.s32 v1, v3;
	s10 =	simm.s32 $0x15A00  }
0x26d: {  	[tilespmem:s10], [sflag:$0x4] =	stream.indirect_vreg.gather [hbm4b:s5+s3], $0x80, v4, vm0, $0xb8;
	[tilespmem:$0x1E200] =	vst v63  }
0x26e: {  	s10 =	simm.s32 $0x16200  }
0x26f: {  	[tilespmem:s10], [sflag:$0x4] =	stream.indirect_vreg.gather [hbm4b:s6+s3], $0x80, v4, vm0, $0xb8;
	[tilespmem:$0x1E200] =	vst v63  }
0x270: {  	s10 =	simm.s32 $0x16A00  }
0x271: {  	[tilespmem:s10], [sflag:$0x4] =	stream.indirect_vreg.gather [hbm4b:s1+s3], $0x80, v3, vm0, $0xb8;
	[tilespmem:$0x1E200] =	vst v63  }
0x272: {  	s10 =	simm.s32 $0x17200  }
0x273: {  	[tilespmem:s10], [sflag:$0x4] =	stream.indirect_vreg.gather [hbm4b:s5+s3], $0x80, v3, vm0, $0xb8;
	[tilespmem:$0x1E200] =	vst v63  }
0x274: {  	s10 =	simm.s32 $0x17A00  }
0x275: {  	[tilespmem:s10], [sflag:$0x4] =	stream.indirect_vreg.gather [hbm4b:s6+s3], $0x80, v3, vm0, $0xb8;
	[tilespmem:$0x1E200] =	vst v63  }
0x276: {  	_ =	swait.ge [sflag:s8], $0x6000  }
0x277: {  	[sflag:s8] =	ssyncset.done $0x0  }
0x278: {  	s10 =	rddreg [dreg:$0xe];
	[sflag:s8] =	ssyncadd.s32 $0xFFFFA000  }
0x279: {  	[hbm4b:s10+s3] =	stream.linear.scatter [tilespmem:s19], [sflag:$0x6], $0x6000, $0x38;
	[tilespmem:$0x1E200] =	vst v63  }
0x27a: {  	_ =	swait.ge [sflag:s24], $0x6000  }
0x27b: {  	[sflag:s24] =	ssyncset.done $0x0  }
0x27c: {  	[sflag:s24] =	ssyncadd.s32 $0xFFFFA000  }
0x27d: {  	v3 =	vld [tilespmem:$0x1C0];
	_ =	sdelay $0x4  }
0x27e: {  	v60 =	vshrl.u32 v3, $0x3  }
0x27f: {  	v4 =	vmul.u32 $0x30, v60  }
0x280: {  	v3 =	vand.u32 $0x7, v3  }
0x281: {  	v3 =	vor.u32 v3, v4  }
0x282: {  	v4 =	vperm.xlane v3, v0;
	_ =	sdelay $0x1  }
0x283: {  	v4 =	vadd.s32 v1, v4;
	_ =	sdelay $0x3  }
0x284: {  	v3 =	vperm.xlane v3, v2  }
0x285: {  	[tilespmem:s9], [sflag:$0x5] =	stream.indirect_vreg.gather [hbm4b:s1+s3], $0x80, v4, vm0, $0xb8;
	[tilespmem:$0x1E200] =	vst v63  }
0x286: {  	s20 =	simm.s32 $0x18A00;
	v3 =	vadd.s32 v1, v3  }
0x287: {  	[tilespmem:s20], [sflag:$0x5] =	stream.indirect_vreg.gather [hbm4b:s5+s3], $0x80, v4, vm0, $0xb8;
	[tilespmem:$0x1E200] =	vst v63  }
0x288: {  	s20 =	simm.s32 $0x19200  }
0x289: {  	[tilespmem:s20], [sflag:$0x5] =	stream.indirect_vreg.gather [hbm4b:s6+s3], $0x80, v4, vm0, $0xb8;
	[tilespmem:$0x1E200] =	vst v63  }
0x28a: {  	s20 =	simm.s32 $0x19A00  }
0x28b: {  	[tilespmem:s20], [sflag:$0x5] =	stream.indirect_vreg.gather [hbm4b:s1+s3], $0x80, v3, vm0, $0xb8;
	[tilespmem:$0x1E200] =	vst v63  }
0x28c: {  	s20 =	simm.s32 $0x1A200  }
0x28d: {  	[tilespmem:s20], [sflag:$0x5] =	stream.indirect_vreg.gather [hbm4b:s5+s3], $0x80, v3, vm0, $0xb8;
	[tilespmem:$0x1E200] =	vst v63  }
0x28e: {  	s20 =	simm.s32 $0x1AA00  }
0x28f: {  	[tilespmem:s20], [sflag:$0x5] =	stream.indirect_vreg.gather [hbm4b:s6+s3], $0x80, v3, vm0, $0xb8;
	[tilespmem:$0x1E200] =	vst v63  }
0x290: {  	v3 =	vld [tilespmem:$0x1D0];
	_ =	sdelay $0x4  }
0x291: {  	v61 =	vshrl.u32 v3, $0x3  }
0x292: {  	v4 =	vmul.u32 $0x30, v61  }
0x293: {  	v3 =	vand.u32 $0x7, v3  }
0x294: {  	v3 =	vor.u32 v3, v4  }
0x295: {  	v4 =	vperm.xlane v3, v0;
	_ =	sdelay $0x1  }
0x296: {  	v4 =	vadd.s32 v1, v4;
	_ =	sdelay $0x3  }
0x297: {  	s20 =	simm.s32 $0x1B200;
	v3 =	vperm.xlane v3, v2  }
0x298: {  	[tilespmem:s20], [sflag:$0x5] =	stream.indirect_vreg.gather [hbm4b:s1+s3], $0x80, v4, vm0, $0xb8;
	[tilespmem:$0x1E200] =	vst v63  }
0x299: {  	v3 =	vadd.s32 v1, v3;
	s20 =	simm.s32 $0x1BA00  }
0x29a: {  	[tilespmem:s20], [sflag:$0x5] =	stream.indirect_vreg.gather [hbm4b:s5+s3], $0x80, v4, vm0, $0xb8;
	[tilespmem:$0x1E200] =	vst v63  }
0x29b: {  	s20 =	simm.s32 $0x1C200  }
0x29c: {  	[tilespmem:s20], [sflag:$0x5] =	stream.indirect_vreg.gather [hbm4b:s6+s3], $0x80, v4, vm0, $0xb8;
	[tilespmem:$0x1E200] =	vst v63  }
0x29d: {  	s20 =	simm.s32 $0x1CA00  }
0x29e: {  	[tilespmem:s20], [sflag:$0x5] =	stream.indirect_vreg.gather [hbm4b:s1+s3], $0x80, v3, vm0, $0xb8;
	[tilespmem:$0x1E200] =	vst v63  }
0x29f: {  	s20 =	simm.s32 $0x1D200  }
0x2a0: {  	[tilespmem:s20], [sflag:$0x5] =	stream.indirect_vreg.gather [hbm4b:s5+s3], $0x80, v3, vm0, $0xb8;
	[tilespmem:$0x1E200] =	vst v63  }
0x2a1: {  	s20 =	simm.s32 $0x1DA00  }
0x2a2: {  	[tilespmem:s20], [sflag:$0x5] =	stream.indirect_vreg.gather [hbm4b:s6+s3], $0x80, v3, vm0, $0xb8;
	[tilespmem:$0x1E200] =	vst v63  }
0x2a3: {  	_ =	swait.ge [sflag:s25], $0x6000  }
0x2a4: {  	[sflag:s25] =	ssyncset.done $0x0  }
0x2a5: {  	s20 =	rddreg [dreg:$0xf];
	[sflag:s25] =	ssyncadd.s32 $0xFFFFA000  }
0x2a6: {  	[hbm4b:s20+s3] =	stream.linear.scatter [tilespmem:s4], [sflag:$0x7], $0x6000, $0x38;
	[tilespmem:$0x1E200] =	vst v63  }
0x2a7: {  	_ =	swait.ge [sflag:s26], $0x6000  }
0x2a8: {  	[sflag:s26] =	ssyncset.done $0x0  }
0x2a9: {  	[sflag:s26] =	ssyncadd.s32 $0xFFFFA000  }
0x2aa: {  	v3 =	vld [tilespmem:$0x1E0];
	_ =	sdelay $0x4  }
0x2ab: {  	v62 =	vshrl.u32 v3, $0x3  }
0x2ac: {  	v4 =	vmul.u32 $0x30, v62  }
0x2ad: {  	v3 =	vand.u32 $0x7, v3  }
0x2ae: {  	v3 =	vor.u32 v3, v4  }
0x2af: {  	v4 =	vperm.xlane v3, v0;
	_ =	sdelay $0x1  }
0x2b0: {  	v4 =	vadd.s32 v1, v4;
	_ =	sdelay $0x3  }
0x2b1: {  	v3 =	vperm.xlane v3, v2  }
0x2b2: {  	[tilespmem:s19], [sflag:$0x1] =	stream.indirect_vreg.gather [hbm4b:s1+s3], $0x80, v4, vm0, $0xb8;
	[tilespmem:$0x1E200] =	vst v63  }
0x2b3: {  	s11 =	simm.s32 $0xA00;
	v3 =	vadd.s32 v1, v3  }
0x2b4: {  	[tilespmem:s11], [sflag:$0x1] =	stream.indirect_vreg.gather [hbm4b:s5+s3], $0x80, v4, vm0, $0xb8;
	[tilespmem:$0x1E200] =	vst v63  }
0x2b5: {  	s12 =	simm.s32 $0x1200  }
0x2b6: {  	[tilespmem:s12], [sflag:$0x1] =	stream.indirect_vreg.gather [hbm4b:s6+s3], $0x80, v4, vm0, $0xb8;
	[tilespmem:$0x1E200] =	vst v63  }
0x2b7: {  	s13 =	simm.s32 $0x1A00  }
0x2b8: {  	[tilespmem:s13], [sflag:$0x1] =	stream.indirect_vreg.gather [hbm4b:s1+s3], $0x80, v3, vm0, $0xb8;
	[tilespmem:$0x1E200] =	vst v63  }
0x2b9: {  	s14 =	simm.s32 $0x2200  }
0x2ba: {  	[tilespmem:s14], [sflag:$0x1] =	stream.indirect_vreg.gather [hbm4b:s5+s3], $0x80, v3, vm0, $0xb8;
	[tilespmem:$0x1E200] =	vst v63  }
0x2bb: {  	s13 =	simm.s32 $0x2A00  }
0x2bc: {  	[tilespmem:s13], [sflag:$0x1] =	stream.indirect_vreg.gather [hbm4b:s6+s3], $0x80, v3, vm0, $0xb8;
	[tilespmem:$0x1E200] =	vst v63  }
0x2bd: {  	v3 =	vld [tilespmem:$0x1F0];
	_ =	sdelay $0x4  }
0x2be: {  	v63 =	vshrl.u32 v3, $0x3  }
0x2bf: {  	v4 =	vmul.u32 $0x30, v63  }
0x2c0: {  	v3 =	vand.u32 $0x7, v3  }
0x2c1: {  	v3 =	vor.u32 v3, v4  }
0x2c2: {  	v4 =	vperm.xlane v3, v0;
	_ =	sdelay $0x1  }
0x2c3: {  	v4 =	vadd.s32 v1, v4;
	_ =	sdelay $0x3  }
0x2c4: {  	s14 =	simm.s32 $0x3200;
	v3 =	vperm.xlane v3, v2  }
0x2c5: {  	[tilespmem:s14], [sflag:$0x1] =	stream.indirect_vreg.gather [hbm4b:s1+s3], $0x80, v4, vm0, $0xb8;
	[tilespmem:$0x1E200] =	vst v63  }
0x2c6: {  	s15 =	simm.s32 $0x3A00;
	v3 =	vadd.s32 v1, v3  }
0x2c7: {  	[tilespmem:s15], [sflag:$0x1] =	stream.indirect_vreg.gather [hbm4b:s5+s3], $0x80, v4, vm0, $0xb8;
	[tilespmem:$0x1E200] =	vst v63  }
0x2c8: {  	s16 =	simm.s32 $0x4200  }
0x2c9: {  	[tilespmem:s16], [sflag:$0x1] =	stream.indirect_vreg.gather [hbm4b:s6+s3], $0x80, v4, vm0, $0xb8;
	[tilespmem:$0x1E200] =	vst v63  }
0x2ca: {  	s17 =	simm.s32 $0x4A00  }
0x2cb: {  	[tilespmem:s17], [sflag:$0x1] =	stream.indirect_vreg.gather [hbm4b:s1+s3], $0x80, v3, vm0, $0xb8;
	[tilespmem:$0x1E200] =	vst v63  }
0x2cc: {  	s18 =	simm.s32 $0x5200  }
0x2cd: {  	[tilespmem:s18], [sflag:$0x1] =	stream.indirect_vreg.gather [hbm4b:s5+s3], $0x80, v3, vm0, $0xb8;
	[tilespmem:$0x1E200] =	vst v63  }
0x2ce: {  	s15 =	simm.s32 $0x5A00  }
0x2cf: {  	[tilespmem:s15], [sflag:$0x1] =	stream.indirect_vreg.gather [hbm4b:s6+s3], $0x80, v3, vm0, $0xb8;
	[tilespmem:$0x1E200] =	vst v63  }
0x2d0: {  	_ =	swait.ge [sflag:s28], $0x6000  }
0x2d1: {  	[sflag:s28] =	ssyncset.done $0x0  }
0x2d2: {  	s16 =	rddreg [dreg:$0x10];
	[sflag:s28] =	ssyncadd.s32 $0xFFFFA000  }
0x2d3: {  	[hbm4b:s16+s3] =	stream.linear.scatter [tilespmem:s21], [sflag:$0x8], $0x6000, $0x38;
	[tilespmem:$0x1E200] =	vst v63  }
0x2d4: {  	_ =	swait.ge [sflag:s30], $0x6000  }
0x2d5: {  	[sflag:s30] =	ssyncset.done $0x0  }
0x2d6: {  	s17 =	rddreg [dreg:$0x11];
	[sflag:s30] =	ssyncadd.s32 $0xFFFFA000  }
0x2d7: {  	[hbm4b:s17+s3] =	stream.linear.scatter [tilespmem:s0], [sflag:$0x9], $0x6000, $0x38;
	[tilespmem:$0x1E200] =	vst v63  }
0x2d8: {  	_ =	swait.ge [sflag:s2], $0x6000  }
0x2d9: {  	[sflag:s2] =	ssyncset.done $0x0  }
0x2da: {  	s18 =	rddreg [dreg:$0x12];
	[sflag:s2] =	ssyncadd.s32 $0xFFFFA000  }
0x2db: {  	[hbm4b:s18+s3] =	stream.linear.scatter [tilespmem:s9], [sflag:$0xA], $0x6000, $0x38;
	[tilespmem:$0x1E200] =	vst v63  }
0x2dc: {  	_ =	swait.ge [sflag:s8], $0x6000  }
0x2dd: {  	[sflag:s8] =	ssyncset.done $0x0  }
0x2de: {  	s20 =	rddreg [dreg:$0x13];
	[sflag:s8] =	ssyncadd.s32 $0xFFFFA000  }
0x2df: {  	[hbm4b:s20+s3] =	stream.linear.scatter [tilespmem:s19], [sflag:$0x6], $0x6000, $0x38;
	[tilespmem:$0x1E200] =	vst v63  }
0x2e0: {  	_ =	swait.ge [sflag:s29], $0x6000  }
0x2e1: {  	[sflag:s29] =	ssyncset.done $0x0  }
0x2e2: {  	[sflag:s29] =	ssyncadd.s32 $0xFFFFA000  }
0x2e3: {  	_ =	swait.ge [sflag:s31], $0x6000  }
0x2e4: {  	[sflag:s31] =	ssyncset.done $0x0  }
0x2e5: {  	[sflag:s31] =	ssyncadd.s32 $0xFFFFA000  }
0x2e6: {  	_ =	swait.ge [sflag:s23], $0x6000  }
0x2e7: {  	[sflag:s23] =	ssyncset.done $0x0  }
0x2e8: {  	[sflag:s23] =	ssyncadd.s32 $0xFFFFA000  }
0x2e9: {  	p0 =	sne.s32 s7, $0x1;
	_ =	swait.ge [sflag:s24], $0x6000  }
.Ltmp0:
0x2ea: {  	[sflag:s24] =	ssyncset.done $0x0;
	(pc) =	sbr.rel @p0 .LBB2_1-.Ltmp0, $4  }
0x2eb: {  	[sflag:s24] =	ssyncadd.s32 $0xFFFFA000  }
0x2ec: {  	_ =	swait.ge [sflag:s26], $0x6000  }
0x2ed: {  	[sflag:s26] =	ssyncset.done $0x0  }
0x2ee: {  	s7 =	sadd.s32 $0xFFFFFFFF, s7;
	[sflag:s26] =	ssyncadd.s32 $0xFFFFA000  }
0x2ef: {  	_ =	sfence.sel $0x180000  }
0x2f0: {  	[bflag:$0x0] =	sbarrier.arrive $0xFFFF  }
0x2f1: {  	_ =	strace $0x90000047  }
0x2f2: {  	s0 =	stileid.u32;
	[bflag:$0x2] =	sbarrier.arrive $0xFFFF  }
0x2f3: {  	p0 =	sne.s32 s0, $0x0;
	s0 =	rddreg [dreg:$0x3]  }
0x2f4: {  	s0 =	sadd.s32 @!p0 $0x100000, s0  }
0x2f5: {  	[sflag:s0] =	ssyncadd.tile.s32 @!p0 $0x1;
	_ =	shalt  }
.Lfunc_end2:
_tile_overlayer_lowered:
.L_overlay_start_2:
0x2f6: {  	(tag) =	ssettag $0x2  }
0x2f7: {  	s0 =	rddreg [dreg:$0x0];
	s2 =	stileid.u32  }
0x2f8: {  	s1 =	rddreg [dreg:$0x1];
	p0 =	sne.s32 s2, $0x0  }
0x2f9: {  	s3 =	rddreg [dreg:$0x2];
	[bflag:$0x3] =	sbarrier.arrive $0xFFFF;
	s2 =	simm.s32 @!p0 $0x1C0B  }
0x2fa: {  	[timem:s3], [sflag:s2] =	dma.local @!p0 [hbm:s0], s1  }
0x2fb: {  	s0 =	simm.s32 @!p0 $0xB  }
0x2fc: {  	_ =	swait.ge @!p0 [sflag:s0], s1  }
0x2fd: {  	s1 =	ssub.s32 @!p0 $0x0, s1;
	[sflag:s0] =	ssyncset.done @!p0 $0x0  }
0x2fe: {  	[sflag:s0] =	ssyncadd.s32 @!p0 s1  }
0x2ff: {  	[bflag:$0x3] =	sbarrier.arrive $0xFFFF  }
0x300: {  	_ =	shalt  }

</sc_bundles>
